<compile_context>
chip_gen: v7x
topology: tpu7x:2x2x1
jax: 0.10.2.dev20260603
libtpu: 0.0.44.dev20260713+nightly
codegen_flags: <defaults>
</compile_context>

<pallas_src>
import jax
import jax.numpy as jnp
import numpy as np
from jax import lax
from jax.experimental import pallas as pl
from jax.experimental.pallas import tpu as pltpu
from jax.experimental.pallas import tpu_sc as plsc

N = 10000
E = 320000
F = 128
H = 128
OUTD = 2
G = 64

NC = 2
NS = 16
NW = NC * NS

K = 128
CPT = 80
EPAD = NW * CPT * K
PADR = 240
AR = N + PADR
RPT = AR // NS

_mesh = plsc.VectorSubcoreMesh(core_axis_name="c", subcore_axis_name="s")



def _sc_deg_body(edges, zdeg, onesh, out, dst_v, ones_v, acc, sem):
    c = lax.axis_index("c")
    s = lax.axis_index("s")
    wid = c * NS + s
    pltpu.sync_copy(edges.at[1, pl.ds(wid * CPT, CPT)], dst_v)
    pltpu.sync_copy(onesh, ones_v)
    pltpu.sync_copy(zdeg.at[pl.ds(s * RPT, RPT)], acc.at[pl.ds(s * RPT, RPT)])
    plsc.subcore_barrier()

    def body(j, carry):
        pltpu.async_copy(ones_v, acc.at[dst_v.at[j]], sem, add=True)

        @pl.when(j >= 7)
        def _drain():
            pltpu.make_async_copy(ones_v, acc.at[dst_v.at[j - 7]], sem).wait()

        return carry

    lax.fori_loop(0, CPT, body, 0)
    for t in range(7):
        pltpu.make_async_copy(ones_v, acc.at[dst_v.at[CPT - 7 + t]],
                              sem).wait()
    plsc.subcore_barrier()
    pltpu.sync_copy(acc.at[pl.ds(s * RPT, RPT)],
                    out.at[pl.ds(c * AR + s * RPT, RPT)])


_sc_deg = pl.kernel(
    _sc_deg_body,
    out_type=jax.ShapeDtypeStruct((NC * AR,), jnp.float32),
    mesh=_mesh,
    scratch_types=[
        pltpu.VMEM((CPT, K), jnp.int32),
        pltpu.VMEM((K,), jnp.float32),
        pltpu.VMEM_SHARED((AR,), jnp.float32),
        pltpu.SemaphoreType.DMA,
    ],
)



def _sc_scatter_body(hs, edges, zrows, out, src_v, dst_v, rows0, rows1,
                     acc, sem0, sem1):
    c = lax.axis_index("c")
    s = lax.axis_index("s")
    wid = c * NS + s

    rows = (rows0, rows1)
    sems = (sem0, sem1)
    HC = CPT // 2
    for half in range(2):
        base = wid * CPT + half * HC
        pltpu.sync_copy(edges.at[0, pl.ds(base, HC)], src_v)
        pltpu.sync_copy(edges.at[1, pl.ds(base, HC)], dst_v)
        pltpu.async_copy(hs.at[src_v.at[0]], rows0, sem0)
        if half == 0:
            @pl.when(jnp.logical_and(c == 0, s < NS - 1))
            def _preload():
                pltpu.sync_copy(hs.at[pl.ds(s * RPT, RPT)],
                                acc.at[pl.ds(s * RPT, RPT)])

            @pl.when(jnp.logical_and(c == 0, s == NS - 1))
            def _preload_tail():
                pltpu.sync_copy(hs.at[pl.ds((NS - 1) * RPT, N - (NS - 1) * RPT)],
                                acc.at[pl.ds((NS - 1) * RPT, N - (NS - 1) * RPT)])
                pltpu.sync_copy(zrows.at[pl.ds(0, AR - N)],
                                acc.at[pl.ds(N, AR - N)])

            @pl.when(c == 1)
            def _zero():
                pltpu.sync_copy(zrows, acc.at[pl.ds(s * RPT, RPT)])

            plsc.subcore_barrier()

        def body(g, carry):
            for b in range(2):
                j = 2 * g + b
                pltpu.make_async_copy(hs.at[src_v.at[j]], rows[b],
                                      sems[b]).wait()

                @pl.when(j + 1 < HC)
                def _prefetch():
                    pltpu.async_copy(hs.at[src_v.at[j + 1]], rows[1 - b],
                                     sems[1 - b])

                pltpu.sync_copy(rows[b], acc.at[dst_v.at[j]], add=True)
            return carry

        lax.fori_loop(0, HC // 2, body, 0)
    plsc.subcore_barrier()
    pltpu.sync_copy(acc.at[pl.ds(s * RPT, RPT)], out.at[c, pl.ds(s * RPT, RPT)])


_sc_scatter = pl.kernel(
    _sc_scatter_body,
    out_type=jax.ShapeDtypeStruct((NC, AR, H), jnp.float32),
    mesh=_mesh,
    scratch_types=[
        pltpu.VMEM((CPT // 2, K), jnp.int32),
        pltpu.VMEM((CPT // 2, K), jnp.int32),
        pltpu.VMEM((K, H), jnp.float32),
        pltpu.VMEM((K, H), jnp.float32),
        pltpu.VMEM_SHARED((AR, H), jnp.float32),
        pltpu.SemaphoreType.DMA,
        pltpu.SemaphoreType.DMA,
    ],
)



BLK = 2000


def _k1_body(x_ref, w_ref, deg_ref, y_ref):
    h = jnp.dot(x_ref[...], w_ref[...], preferred_element_type=jnp.float32)
    dis = lax.rsqrt(deg_ref[...])
    y_ref[...] = h * dis


def _k1(x, W1, deg2d):
    return pl.pallas_call(
        _k1_body,
        grid=(N // BLK,),
        in_specs=[
            pl.BlockSpec((BLK, F), lambda i: (i, 0)),
            pl.BlockSpec((F, H), lambda i: (0, 0)),
            pl.BlockSpec((BLK, 1), lambda i: (i, 0)),
        ],
        out_specs=pl.BlockSpec((BLK, H), lambda i: (i, 0)),
        out_shape=jax.ShapeDtypeStruct((N, H), jnp.float32),
    )(x, W1, deg2d)


def _k2_body(a_ref, deg_ref, b1_ref, w2_ref, y2_ref):
    dis = lax.rsqrt(deg_ref[...])
    agg = a_ref[0] + a_ref[1]
    x2 = jnp.maximum(agg * dis + b1_ref[...], 0.0)
    y2_ref[...] = jnp.dot(x2, w2_ref[...], preferred_element_type=jnp.float32) * dis


def _k2(agg, deg2d, b1r, W2):
    return pl.pallas_call(
        _k2_body,
        grid=(N // BLK,),
        in_specs=[
            pl.BlockSpec((NC, BLK, H), lambda i: (0, i, 0)),
            pl.BlockSpec((BLK, 1), lambda i: (i, 0)),
            pl.BlockSpec((1, H), lambda i: (0, 0)),
            pl.BlockSpec((H, H), lambda i: (0, 0)),
        ],
        out_specs=pl.BlockSpec((BLK, H), lambda i: (i, 0)),
        out_shape=jax.ShapeDtypeStruct((N, H), jnp.float32),
    )(agg, deg2d, b1r, W2)


def _k3_body(a_ref, deg_ref, b2_ref, batch_ref, wlin_ref, blin_ref,
             out_ref, acc_ref, cnt_ref):
    i = pl.program_id(0)

    @pl.when(i == 0)
    def _init():
        acc_ref[...] = jnp.zeros_like(acc_ref)
        cnt_ref[...] = jnp.zeros_like(cnt_ref)

    dis = lax.rsqrt(deg_ref[...])
    x3 = jnp.maximum((a_ref[0] + a_ref[1]) * dis + b2_ref[...], 0.0)
    bid = batch_ref[...]
    gi = lax.broadcasted_iota(jnp.int32, (BLK, G), 1)
    oh = (bid == gi).astype(jnp.float32)
    acc_ref[...] += lax.dot_general(
        oh, x3, (((0,), (0,)), ((), ())), preferred_element_type=jnp.float32)
    cnt_ref[...] += lax.dot_general(
        oh, jnp.ones((BLK, H), jnp.float32), (((0,), (0,)), ((), ())),
        preferred_element_type=jnp.float32)

    @pl.when(i == pl.num_programs(0) - 1)
    def _fin():
        pooled = acc_ref[...] / jnp.maximum(cnt_ref[...], 1.0)
        out_ref[...] = jnp.dot(pooled, wlin_ref[...],
                               preferred_element_type=jnp.float32) + blin_ref[...]


def _k3(agg, deg2d, b2r, batch2d, wlin_p, blin_p):
    return pl.pallas_call(
        _k3_body,
        grid=(N // BLK,),
        in_specs=[
            pl.BlockSpec((NC, BLK, H), lambda i: (0, i, 0)),
            pl.BlockSpec((BLK, 1), lambda i: (i, 0)),
            pl.BlockSpec((1, H), lambda i: (0, 0)),
            pl.BlockSpec((BLK, 1), lambda i: (i, 0)),
            pl.BlockSpec((H, H), lambda i: (0, 0)),
            pl.BlockSpec((1, H), lambda i: (0, 0)),
        ],
        out_specs=pl.BlockSpec((G, H), lambda i: (0, 0)),
        out_shape=jax.ShapeDtypeStruct((G, H), jnp.float32),
        scratch_shapes=[
            pltpu.VMEM((G, H), jnp.float32),
            pltpu.VMEM((G, H), jnp.float32),
        ],
    )(agg, deg2d, b2r, batch2d, wlin_p, blin_p)


def kernel(x, edge_index, batch, W1, b1, W2, b2, Wlin, blin):
    pi = np.arange(EPAD - E)
    padc = np.stack([pi % K, N + pi % PADR]).astype(np.int32)
    edges3d = jnp.concatenate([edge_index.astype(jnp.int32), padc],
                              axis=1).reshape(2, NW * CPT, K)
    zdeg = jnp.zeros((AR,), jnp.float32)
    zrows = jnp.zeros((RPT, H), jnp.float32)
    onesh = jnp.ones((K,), jnp.float32)

    degp = _sc_deg(edges3d, zdeg, onesh).reshape(NC, AR)
    deg2d = (degp[0, :N] + degp[1, :N] + 1.0).reshape(N, 1)

    y1 = _k1(x, W1, deg2d)
    agg1 = _sc_scatter(y1, edges3d, zrows)

    b1r = b1.reshape(1, H)
    y2 = _k2(agg1, deg2d, b1r, W2)
    agg2 = _sc_scatter(y2, edges3d, zrows)

    b2r = b2.reshape(1, H)
    batch2d = batch.astype(jnp.int32).reshape(N, 1)
    wlin_p = jnp.zeros((H, H), jnp.float32).at[:, :OUTD].set(Wlin)
    blin_p = jnp.zeros((1, H), jnp.float32).at[0, :OUTD].set(blin)
    outp = _k3(agg2, deg2d, b2r, batch2d, wlin_p, blin_p)
    return outp[:, :OUTD]

# --- scband reference (transcript-rebuilt; emitter-appended) ---
"""Pipeline reference for scband-gcn-20796231647305 (READ-ONLY COPY).

The authoritative reference and input builder live on the scoring server;
editing this copy changes nothing except your own understanding.
"""

import jax, jax.numpy as jnp
import numpy as np

N = 10000
E = 320000
F_IN = 128
H = 128
OUT = 2
G = 64


def setup_inputs(seed: int = 0) -> dict:
    key = jax.random.key(seed)
    ks = jax.random.split(key, 10)
    x = jax.random.normal(ks[0], (N, F_IN), dtype=jnp.float32)
    edge_index = jax.random.randint(ks[1], (2, E), 0, N, dtype=jnp.int32)
    batch = jnp.sort(jax.random.randint(ks[2], (N,), 0, G, dtype=jnp.int32))
    W1 = jax.random.normal(ks[3], (F_IN, H), dtype=jnp.float32) * (1.0 / np.sqrt(F_IN))
    b1 = jnp.zeros((H,), dtype=jnp.float32)
    W2 = jax.random.normal(ks[4], (H, H), dtype=jnp.float32) * (1.0 / np.sqrt(H))
    b2 = jnp.zeros((H,), dtype=jnp.float32)
    Wlin = jax.random.normal(ks[5], (H, OUT), dtype=jnp.float32) * (1.0 / np.sqrt(H))
    blin = jnp.zeros((OUT,), dtype=jnp.float32)
    return {"x": x, "edge_index": edge_index, "batch": batch,
            "W1": W1, "b1": b1, "W2": W2, "b2": b2, "Wlin": Wlin, "blin": blin}


def _gcn_conv(x, edge_index, W, b):
    # PyG GCNConv: add self-loops, symmetric D^{-1/2} (A+I) D^{-1/2} normalization
    src = edge_index[0]
    dst = edge_index[1]
    loop = jnp.arange(N, dtype=src.dtype)
    src2 = jnp.concatenate([src, loop])
    dst2 = jnp.concatenate([dst, loop])
    ones = jnp.ones(src2.shape[0], dtype=x.dtype)
    deg = jax.ops.segment_sum(ones, dst2, num_segments=N)
    dis = jnp.where(deg > 0, jax.lax.rsqrt(jnp.maximum(deg, 1e-12)), 0.0)
    norm = dis[src2] * dis[dst2]
    h = x @ W
    msgs = jnp.take(h, src2, axis=0) * norm[:, None]
    out = jax.ops.segment_sum(msgs, dst2, num_segments=N)
    return out + b


def reference(x, edge_index, batch, W1, b1, W2, b2, Wlin, blin):
    h = jax.nn.relu(_gcn_conv(x, edge_index, W1, b1))
    h = jax.nn.relu(_gcn_conv(h, edge_index, W2, b2))
    # global_mean_pool over graph ids in `batch`
    sums = jax.ops.segment_sum(h, batch, num_segments=G)
    counts = jax.ops.segment_sum(jnp.ones((N,), dtype=h.dtype), batch, num_segments=G)
    pooled = sums / jnp.maximum(counts, 1.0)[:, None]
    return pooled @ Wlin + blin

if __name__ == "__main__":
    import jax
    _d = setup_inputs()
    print(jax.jit(kernel)(*tuple(_d.values())))

</pallas_src>

<mosaic_0001>
#map = affine_map<(d0, d1) -> (0, 0)>
#map1 = affine_map<(d0, d1) -> (0, 0, 0)>
module attributes {stable_mosaic.version = 14 : i64} {
  func.func @_sc_scatter_body(%arg0: i32, %arg1: i32, %arg2: memref<10000x128xf32, #tpu.memory_space<hbm>>, %arg3: memref<2x2560x128xi32, #tpu.memory_space<hbm>>, %arg4: memref<640x128xf32, #tpu.memory_space<hbm>>, %arg5: memref<2x10240x128xf32, #tpu.memory_space<hbm>>, %arg6: memref<40x128xi32, #tpu.memory_space<vmem>>, %arg7: memref<40x128xi32, #tpu.memory_space<vmem>>, %arg8: memref<128x128xf32, #tpu.memory_space<vmem>>, %arg9: memref<128x128xf32, #tpu.memory_space<vmem>>, %arg10: memref<10240x128xf32, #tpu.memory_space<vmem_shared>>, %arg11: memref<!tpu.dma_semaphore, #tpu.memory_space<semaphore_mem>>, %arg12: memref<!tpu.dma_semaphore, #tpu.memory_space<semaphore_mem>>) attributes {dimension_semantics = [#tpu.dimension_semantics<core_parallel>, #tpu.dimension_semantics<subcore_parallel>], iteration_bounds = array<i64: 2, 16>, scalar_prefetch = 0 : i64, scratch_operands = 7 : i64, tpu.core_type = #tpu.core_type<sc_vector_subcore>, window_params = [{transform_indices = #map}, {transform_indices = #map1}, {transform_indices = #map}, {transform_indices = #map1}]} {
    %mul3A = arith.constant 16 : i32
    %mul3A_0 = arith.muli %arg0, %mul3A : i32
    %add3A = arith.addi %mul3A_0, %arg1 : i32
    %mul3A_1 = arith.constant 80 : i32
    %mul3A_2 = arith.muli %add3A, %mul3A_1 : i32
    %add3A_3 = arith.constant 0 : i32
    %add3A_4 = arith.addi %mul3A_2, %add3A_3 : i32
    %run_scoped3A = arith.constant 0 : i32
    "tpu.region"() ({
      %run_scoped3A_57 = tpu.sem_alloc : memref<!tpu.dma_semaphore, #tpu.memory_space<semaphore_mem>>
      %dma_start3A_58 = arith.constant 0 : i32
      %dma_start3A_59 = tpu.memref_slice %arg3[%run_scoped3A, %add3A_4, %dma_start3A_58] : memref<2x2560x128xi32, #tpu.memory_space<hbm>> -> memref<1x40x128xi32, #tpu.memory_space<hbm>>
      %dma_start3A_60 = tpu.memref_squeeze %dma_start3A_59 : memref<1x40x128xi32, #tpu.memory_space<hbm>> -> memref<40x128xi32, #tpu.memory_space<hbm>>
      %dma_start3A_61 = arith.constant 0 : i32
      %dma_start3A_62 = tpu.memref_slice %arg3[%run_scoped3A, %add3A_4, %dma_start3A_61] : memref<2x2560x128xi32, #tpu.memory_space<hbm>> -> memref<1x40x128xi32, #tpu.memory_space<hbm>>
      %dma_start3A_63 = tpu.memref_squeeze %dma_start3A_62 : memref<1x40x128xi32, #tpu.memory_space<hbm>> -> memref<40x128xi32, #tpu.memory_space<hbm>>
      tpu.enqueue_dma source(%dma_start3A_63 : memref<40x128xi32, #tpu.memory_space<hbm>>) target(%arg6 : memref<40x128xi32, #tpu.memory_space<vmem>>) target_semaphore(%run_scoped3A_57 : memref<!tpu.dma_semaphore, #tpu.memory_space<semaphore_mem>>)
      %dma_wait3A = arith.constant 0 : i32
      %dma_wait3A_64 = tpu.memref_slice %arg3[%run_scoped3A, %add3A_4, %dma_wait3A] : memref<2x2560x128xi32, #tpu.memory_space<hbm>> -> memref<1x40x128xi32, #tpu.memory_space<hbm>>
      %dma_wait3A_65 = tpu.memref_squeeze %dma_wait3A_64 : memref<1x40x128xi32, #tpu.memory_space<hbm>> -> memref<40x128xi32, #tpu.memory_space<hbm>>
      %dma_wait3A_66 = arith.constant 0 : i32
      %dma_wait3A_67 = tpu.memref_slice %arg3[%run_scoped3A, %add3A_4, %dma_wait3A_66] : memref<2x2560x128xi32, #tpu.memory_space<hbm>> -> memref<1x40x128xi32, #tpu.memory_space<hbm>>
      %dma_wait3A_68 = tpu.memref_squeeze %dma_wait3A_67 : memref<1x40x128xi32, #tpu.memory_space<hbm>> -> memref<40x128xi32, #tpu.memory_space<hbm>>
      tpu.wait_dma2 semaphore(%run_scoped3A_57 : memref<!tpu.dma_semaphore, #tpu.memory_space<semaphore_mem>>) src(%dma_wait3A_68 : memref<40x128xi32, #tpu.memory_space<hbm>>) dst(%arg6 : memref<40x128xi32, #tpu.memory_space<vmem>>)
      tpu.yield
    }) : () -> ()
    %run_scoped3A_5 = arith.constant 1 : i32
    "tpu.region"() ({
      %run_scoped3A_57 = tpu.sem_alloc : memref<!tpu.dma_semaphore, #tpu.memory_space<semaphore_mem>>
      %dma_start3A_58 = arith.constant 0 : i32
      %dma_start3A_59 = tpu.memref_slice %arg3[%run_scoped3A_5, %add3A_4, %dma_start3A_58] : memref<2x2560x128xi32, #tpu.memory_space<hbm>> -> memref<1x40x128xi32, #tpu.memory_space<hbm>>
      %dma_start3A_60 = tpu.memref_squeeze %dma_start3A_59 : memref<1x40x128xi32, #tpu.memory_space<hbm>> -> memref<40x128xi32, #tpu.memory_space<hbm>>
      %dma_start3A_61 = arith.constant 0 : i32
      %dma_start3A_62 = tpu.memref_slice %arg3[%run_scoped3A_5, %add3A_4, %dma_start3A_61] : memref<2x2560x128xi32, #tpu.memory_space<hbm>> -> memref<1x40x128xi32, #tpu.memory_space<hbm>>
      %dma_start3A_63 = tpu.memref_squeeze %dma_start3A_62 : memref<1x40x128xi32, #tpu.memory_space<hbm>> -> memref<40x128xi32, #tpu.memory_space<hbm>>
      tpu.enqueue_dma source(%dma_start3A_63 : memref<40x128xi32, #tpu.memory_space<hbm>>) target(%arg7 : memref<40x128xi32, #tpu.memory_space<vmem>>) target_semaphore(%run_scoped3A_57 : memref<!tpu.dma_semaphore, #tpu.memory_space<semaphore_mem>>)
      %dma_wait3A = arith.constant 0 : i32
      %dma_wait3A_64 = tpu.memref_slice %arg3[%run_scoped3A_5, %add3A_4, %dma_wait3A] : memref<2x2560x128xi32, #tpu.memory_space<hbm>> -> memref<1x40x128xi32, #tpu.memory_space<hbm>>
      %dma_wait3A_65 = tpu.memref_squeeze %dma_wait3A_64 : memref<1x40x128xi32, #tpu.memory_space<hbm>> -> memref<40x128xi32, #tpu.memory_space<hbm>>
      %dma_wait3A_66 = arith.constant 0 : i32
      %dma_wait3A_67 = tpu.memref_slice %arg3[%run_scoped3A_5, %add3A_4, %dma_wait3A_66] : memref<2x2560x128xi32, #tpu.memory_space<hbm>> -> memref<1x40x128xi32, #tpu.memory_space<hbm>>
      %dma_wait3A_68 = tpu.memref_squeeze %dma_wait3A_67 : memref<1x40x128xi32, #tpu.memory_space<hbm>> -> memref<40x128xi32, #tpu.memory_space<hbm>>
      tpu.wait_dma2 semaphore(%run_scoped3A_57 : memref<!tpu.dma_semaphore, #tpu.memory_space<semaphore_mem>>) src(%dma_wait3A_68 : memref<40x128xi32, #tpu.memory_space<hbm>>) dst(%arg7 : memref<40x128xi32, #tpu.memory_space<vmem>>)
      tpu.yield
    }) : () -> ()
    %dma_start3A = arith.constant 0 : i32
    %dma_start3A_6 = arith.constant 0 : i32
    %dma_start3A_7 = tpu.memref_slice %arg6[%dma_start3A, %dma_start3A_6] : memref<40x128xi32, #tpu.memory_space<vmem>> -> memref<1x128xi32, #tpu.memory_space<vmem>>
    %dma_start3A_8 = tpu.memref_squeeze %dma_start3A_7 : memref<1x128xi32, #tpu.memory_space<vmem>> -> memref<128xi32, #tpu.memory_space<vmem>>
    %dma_start3A_9 = arith.constant 0 : i32
    %dma_start3A_10 = arith.constant 0 : i32
    %dma_start3A_11 = tpu.memref_slice %arg2[%dma_start3A_9, %dma_start3A_10] : memref<10000x128xf32, #tpu.memory_space<hbm>> -> memref<10000x128xf32, #tpu.memory_space<hbm>>
    tpu.enqueue_indirect_dma source(%dma_start3A_11 : memref<10000x128xf32, #tpu.memory_space<hbm>>) target(%arg8 : memref<128x128xf32, #tpu.memory_space<vmem>>) offsets(%dma_start3A_8 : memref<128xi32, #tpu.memory_space<vmem>>) semaphore(%arg11 : memref<!tpu.dma_semaphore, #tpu.memory_space<semaphore_mem>>)
    %eq3A = arith.constant 0 : i32
    %eq3A_12 = arith.cmpi eq, %arg0, %eq3A : i32
    %lt3A = arith.constant 15 : i32
    %lt3A_13 = arith.cmpi slt, %arg1, %lt3A : i32
    %and3A = arith.andi %eq3A_12, %lt3A_13 : i1
    %convert_element_type3A = arith.extui %and3A : i1 to i32
    %cond3A = arith.constant 0 : i32
    %cond3A_14 = arith.cmpi ne, %convert_element_type3A, %cond3A : i32
    scf.if %cond3A_14 {
      %mul3A_57 = arith.constant 640 : i32
      %mul3A_58 = arith.muli %arg1, %mul3A_57 : i32
      %mul3A_59 = arith.constant 640 : i32
      %mul3A_60 = arith.muli %arg1, %mul3A_59 : i32
      "tpu.region"() ({
        %run_scoped3A_61 = tpu.sem_alloc : memref<!tpu.dma_semaphore, #tpu.memory_space<semaphore_mem>>
        %dma_start3A_62 = arith.constant 0 : i32
        %dma_start3A_63 = tpu.memref_slice %arg10[%mul3A_60, %dma_start3A_62] : memref<10240x128xf32, #tpu.memory_space<vmem_shared>> -> memref<640x128xf32, #tpu.memory_space<vmem_shared>>
        %dma_start3A_64 = arith.constant 0 : i32
        %dma_start3A_65 = tpu.memref_slice %arg2[%mul3A_58, %dma_start3A_64] : memref<10000x128xf32, #tpu.memory_space<hbm>> -> memref<640x128xf32, #tpu.memory_space<hbm>>
        tpu.enqueue_dma source(%dma_start3A_65 : memref<640x128xf32, #tpu.memory_space<hbm>>) target(%dma_start3A_63 : memref<640x128xf32, #tpu.memory_space<vmem_shared>>) target_semaphore(%run_scoped3A_61 : memref<!tpu.dma_semaphore, #tpu.memory_space<semaphore_mem>>)
        %dma_wait3A = arith.constant 0 : i32
        %dma_wait3A_66 = tpu.memref_slice %arg10[%mul3A_60, %dma_wait3A] : memref<10240x128xf32, #tpu.memory_space<vmem_shared>> -> memref<640x128xf32, #tpu.memory_space<vmem_shared>>
        %dma_wait3A_67 = arith.constant 0 : i32
        %dma_wait3A_68 = tpu.memref_slice %arg2[%mul3A_58, %dma_wait3A_67] : memref<10000x128xf32, #tpu.memory_space<hbm>> -> memref<640x128xf32, #tpu.memory_space<hbm>>
        tpu.wait_dma2 semaphore(%run_scoped3A_61 : memref<!tpu.dma_semaphore, #tpu.memory_space<semaphore_mem>>) src(%dma_wait3A_68 : memref<640x128xf32, #tpu.memory_space<hbm>>) dst(%dma_wait3A_66 : memref<640x128xf32, #tpu.memory_space<vmem_shared>>)
        tpu.yield
      }) : () -> ()
    } else {
    }
    %eq3A_15 = arith.constant 0 : i32
    %eq3A_16 = arith.cmpi eq, %arg0, %eq3A_15 : i32
    %eq3A_17 = arith.constant 15 : i32
    %eq3A_18 = arith.cmpi eq, %arg1, %eq3A_17 : i32
    %and3A_19 = arith.andi %eq3A_16, %eq3A_18 : i1
    %convert_element_type3A_20 = arith.extui %and3A_19 : i1 to i32
    %cond3A_21 = arith.constant 0 : i32
    %cond3A_22 = arith.cmpi ne, %convert_element_type3A_20, %cond3A_21 : i32
    scf.if %cond3A_22 {
      "tpu.region"() ({
        %run_scoped3A_57 = tpu.sem_alloc : memref<!tpu.dma_semaphore, #tpu.memory_space<semaphore_mem>>
        %dma_start3A_58 = arith.constant 9600 : i32
        %dma_start3A_59 = arith.constant 0 : i32
        %dma_start3A_60 = tpu.memref_slice %arg10[%dma_start3A_58, %dma_start3A_59] : memref<10240x128xf32, #tpu.memory_space<vmem_shared>> -> memref<400x128xf32, #tpu.memory_space<vmem_shared>>
        %dma_start3A_61 = arith.constant 9600 : i32
        %dma_start3A_62 = arith.constant 0 : i32
        %dma_start3A_63 = tpu.memref_slice %arg2[%dma_start3A_61, %dma_start3A_62] : memref<10000x128xf32, #tpu.memory_space<hbm>> -> memref<400x128xf32, #tpu.memory_space<hbm>>
        tpu.enqueue_dma source(%dma_start3A_63 : memref<400x128xf32, #tpu.memory_space<hbm>>) target(%dma_start3A_60 : memref<400x128xf32, #tpu.memory_space<vmem_shared>>) target_semaphore(%run_scoped3A_57 : memref<!tpu.dma_semaphore, #tpu.memory_space<semaphore_mem>>)
        %dma_wait3A = arith.constant 9600 : i32
        %dma_wait3A_64 = arith.constant 0 : i32
        %dma_wait3A_65 = tpu.memref_slice %arg10[%dma_wait3A, %dma_wait3A_64] : memref<10240x128xf32, #tpu.memory_space<vmem_shared>> -> memref<400x128xf32, #tpu.memory_space<vmem_shared>>
        %dma_wait3A_66 = arith.constant 9600 : i32
        %dma_wait3A_67 = arith.constant 0 : i32
        %dma_wait3A_68 = tpu.memref_slice %arg2[%dma_wait3A_66, %dma_wait3A_67] : memref<10000x128xf32, #tpu.memory_space<hbm>> -> memref<400x128xf32, #tpu.memory_space<hbm>>
        tpu.wait_dma2 semaphore(%run_scoped3A_57 : memref<!tpu.dma_semaphore, #tpu.memory_space<semaphore_mem>>) src(%dma_wait3A_68 : memref<400x128xf32, #tpu.memory_space<hbm>>) dst(%dma_wait3A_65 : memref<400x128xf32, #tpu.memory_space<vmem_shared>>)
        tpu.yield
      }) : () -> ()
      "tpu.region"() ({
        %run_scoped3A_57 = tpu.sem_alloc : memref<!tpu.dma_semaphore, #tpu.memory_space<semaphore_mem>>
        %dma_start3A_58 = arith.constant 10000 : i32
        %dma_start3A_59 = arith.constant 0 : i32
        %dma_start3A_60 = tpu.memref_slice %arg10[%dma_start3A_58, %dma_start3A_59] : memref<10240x128xf32, #tpu.memory_space<vmem_shared>> -> memref<240x128xf32, #tpu.memory_space<vmem_shared>>
        %dma_start3A_61 = arith.constant 0 : i32
        %dma_start3A_62 = arith.constant 0 : i32
        %dma_start3A_63 = tpu.memref_slice %arg4[%dma_start3A_61, %dma_start3A_62] : memref<640x128xf32, #tpu.memory_space<hbm>> -> memref<240x128xf32, #tpu.memory_space<hbm>>
        tpu.enqueue_dma source(%dma_start3A_63 : memref<240x128xf32, #tpu.memory_space<hbm>>) target(%dma_start3A_60 : memref<240x128xf32, #tpu.memory_space<vmem_shared>>) target_semaphore(%run_scoped3A_57 : memref<!tpu.dma_semaphore, #tpu.memory_space<semaphore_mem>>)
        %dma_wait3A = arith.constant 10000 : i32
        %dma_wait3A_64 = arith.constant 0 : i32
        %dma_wait3A_65 = tpu.memref_slice %arg10[%dma_wait3A, %dma_wait3A_64] : memref<10240x128xf32, #tpu.memory_space<vmem_shared>> -> memref<240x128xf32, #tpu.memory_space<vmem_shared>>
        %dma_wait3A_66 = arith.constant 0 : i32
        %dma_wait3A_67 = arith.constant 0 : i32
        %dma_wait3A_68 = tpu.memref_slice %arg4[%dma_wait3A_66, %dma_wait3A_67] : memref<640x128xf32, #tpu.memory_space<hbm>> -> memref<240x128xf32, #tpu.memory_space<hbm>>
        tpu.wait_dma2 semaphore(%run_scoped3A_57 : memref<!tpu.dma_semaphore, #tpu.memory_space<semaphore_mem>>) src(%dma_wait3A_68 : memref<240x128xf32, #tpu.memory_space<hbm>>) dst(%dma_wait3A_65 : memref<240x128xf32, #tpu.memory_space<vmem_shared>>)
        tpu.yield
      }) : () -> ()
    } else {
    }
    %eq3A_23 = arith.constant 1 : i32
    %eq3A_24 = arith.cmpi eq, %arg0, %eq3A_23 : i32
    %convert_element_type3A_25 = arith.extui %eq3A_24 : i1 to i32
    %cond3A_26 = arith.constant 0 : i32
    %cond3A_27 = arith.cmpi ne, %convert_element_type3A_25, %cond3A_26 : i32
    scf.if %cond3A_27 {
      %mul3A_57 = arith.constant 640 : i32
      %mul3A_58 = arith.muli %arg1, %mul3A_57 : i32
      "tpu.region"() ({
        %run_scoped3A_59 = tpu.sem_alloc : memref<!tpu.dma_semaphore, #tpu.memory_space<semaphore_mem>>
        %dma_start3A_60 = arith.constant 0 : i32
        %dma_start3A_61 = tpu.memref_slice %arg10[%mul3A_58, %dma_start3A_60] : memref<10240x128xf32, #tpu.memory_space<vmem_shared>> -> memref<640x128xf32, #tpu.memory_space<vmem_shared>>
        tpu.enqueue_dma source(%arg4 : memref<640x128xf32, #tpu.memory_space<hbm>>) target(%dma_start3A_61 : memref<640x128xf32, #tpu.memory_space<vmem_shared>>) target_semaphore(%run_scoped3A_59 : memref<!tpu.dma_semaphore, #tpu.memory_space<semaphore_mem>>)
        %dma_wait3A = arith.constant 0 : i32
        %dma_wait3A_62 = tpu.memref_slice %arg10[%mul3A_58, %dma_wait3A] : memref<10240x128xf32, #tpu.memory_space<vmem_shared>> -> memref<640x128xf32, #tpu.memory_space<vmem_shared>>
        tpu.wait_dma2 semaphore(%run_scoped3A_59 : memref<!tpu.dma_semaphore, #tpu.memory_space<semaphore_mem>>) src(%arg4 : memref<640x128xf32, #tpu.memory_space<hbm>>) dst(%dma_wait3A_62 : memref<640x128xf32, #tpu.memory_space<vmem_shared>>)
        tpu.yield
      }) : () -> ()
    } else {
    }
    %barrier3A = arith.constant 0 : index
    tpu.barrier barrier_id(%barrier3A)
    %scan3A = arith.constant 0 : i32
    %scan3A_28 = arith.constant 0 : i32
    %scan3A_29 = arith.constant 20 : i32
    %scan3A_30 = arith.addi %scan3A_28, %scan3A_29 : i32
    %scan3A_31 = arith.constant 1 : i32
    scf.for %scan3A_57 = %scan3A_28 to %scan3A_30 step %scan3A_31  : i32 {
      %mul3A_58 = arith.constant 2 : i32
      %mul3A_59 = arith.muli %mul3A_58, %scan3A_57 : i32
      %add3A_60 = arith.constant 0 : i32
      %add3A_61 = arith.addi %mul3A_59, %add3A_60 : i32
      %dma_wait3A = arith.constant 0 : i32
      %dma_wait3A_62 = tpu.memref_slice %arg6[%add3A_61, %dma_wait3A] : memref<40x128xi32, #tpu.memory_space<vmem>> -> memref<1x128xi32, #tpu.memory_space<vmem>>
      %dma_wait3A_63 = tpu.memref_squeeze %dma_wait3A_62 : memref<1x128xi32, #tpu.memory_space<vmem>> -> memref<128xi32, #tpu.memory_space<vmem>>
      %dma_wait3A_64 = arith.constant 0 : i32
      %dma_wait3A_65 = arith.constant 0 : i32
      %dma_wait3A_66 = tpu.memref_slice %arg2[%dma_wait3A_64, %dma_wait3A_65] : memref<10000x128xf32, #tpu.memory_space<hbm>> -> memref<10000x128xf32, #tpu.memory_space<hbm>>
      tpu.wait_indirect_dma semaphore(%arg11 : memref<!tpu.dma_semaphore, #tpu.memory_space<semaphore_mem>>) src(%dma_wait3A_66 : memref<10000x128xf32, #tpu.memory_space<hbm>>) dst(%arg8 : memref<128x128xf32, #tpu.memory_space<vmem>>)
      %add3A_67 = arith.constant 1 : i32
      %add3A_68 = arith.addi %add3A_61, %add3A_67 : i32
      %lt3A_69 = arith.constant 40 : i32
      %lt3A_70 = arith.cmpi slt, %add3A_68, %lt3A_69 : i32
      %convert_element_type3A_71 = arith.extui %lt3A_70 : i1 to i32
      %cond3A_72 = arith.constant 0 : i32
      %cond3A_73 = arith.cmpi ne, %convert_element_type3A_71, %cond3A_72 : i32
      scf.if %cond3A_73 {
        %add3A_91 = arith.constant 1 : i32
        %add3A_92 = arith.addi %add3A_61, %add3A_91 : i32
        %dma_start3A_93 = arith.constant 0 : i32
        %dma_start3A_94 = tpu.memref_slice %arg6[%add3A_92, %dma_start3A_93] : memref<40x128xi32, #tpu.memory_space<vmem>> -> memref<1x128xi32, #tpu.memory_space<vmem>>
        %dma_start3A_95 = tpu.memref_squeeze %dma_start3A_94 : memref<1x128xi32, #tpu.memory_space<vmem>> -> memref<128xi32, #tpu.memory_space<vmem>>
        %dma_start3A_96 = arith.constant 0 : i32
        %dma_start3A_97 = arith.constant 0 : i32
        %dma_start3A_98 = tpu.memref_slice %arg2[%dma_start3A_96, %dma_start3A_97] : memref<10000x128xf32, #tpu.memory_space<hbm>> -> memref<10000x128xf32, #tpu.memory_space<hbm>>
        tpu.enqueue_indirect_dma source(%dma_start3A_98 : memref<10000x128xf32, #tpu.memory_space<hbm>>) target(%arg9 : memref<128x128xf32, #tpu.memory_space<vmem>>) offsets(%dma_start3A_95 : memref<128xi32, #tpu.memory_space<vmem>>) semaphore(%arg12 : memref<!tpu.dma_semaphore, #tpu.memory_space<semaphore_mem>>)
      } else {
      }
      "tpu.region"() ({
        %run_scoped3A_91 = tpu.sem_alloc : memref<!tpu.dma_semaphore, #tpu.memory_space<semaphore_mem>>
        %dma_start3A_92 = arith.constant 0 : i32
        %dma_start3A_93 = tpu.memref_slice %arg7[%add3A_61, %dma_start3A_92] : memref<40x128xi32, #tpu.memory_space<vmem>> -> memref<1x128xi32, #tpu.memory_space<vmem>>
        %dma_start3A_94 = tpu.memref_squeeze %dma_start3A_93 : memref<1x128xi32, #tpu.memory_space<vmem>> -> memref<128xi32, #tpu.memory_space<vmem>>
        %dma_start3A_95 = arith.constant 0 : i32
        %dma_start3A_96 = arith.constant 0 : i32
        %dma_start3A_97 = tpu.memref_slice %arg10[%dma_start3A_95, %dma_start3A_96] : memref<10240x128xf32, #tpu.memory_space<vmem_shared>> -> memref<10240x128xf32, #tpu.memory_space<vmem_shared>>
        tpu.enqueue_indirect_dma source(%arg8 : memref<128x128xf32, #tpu.memory_space<vmem>>) target(%dma_start3A_97 : memref<10240x128xf32, #tpu.memory_space<vmem_shared>>) offsets(%dma_start3A_94 : memref<128xi32, #tpu.memory_space<vmem>>) semaphore(%run_scoped3A_91 : memref<!tpu.dma_semaphore, #tpu.memory_space<semaphore_mem>>) {add = true}
        %dma_wait3A_98 = arith.constant 0 : i32
        %dma_wait3A_99 = tpu.memref_slice %arg7[%add3A_61, %dma_wait3A_98] : memref<40x128xi32, #tpu.memory_space<vmem>> -> memref<1x128xi32, #tpu.memory_space<vmem>>
        %dma_wait3A_100 = tpu.memref_squeeze %dma_wait3A_99 : memref<1x128xi32, #tpu.memory_space<vmem>> -> memref<128xi32, #tpu.memory_space<vmem>>
        %dma_wait3A_101 = arith.constant 0 : i32
        %dma_wait3A_102 = arith.constant 0 : i32
        %dma_wait3A_103 = tpu.memref_slice %arg10[%dma_wait3A_101, %dma_wait3A_102] : memref<10240x128xf32, #tpu.memory_space<vmem_shared>> -> memref<10240x128xf32, #tpu.memory_space<vmem_shared>>
        tpu.wait_indirect_dma semaphore(%run_scoped3A_91 : memref<!tpu.dma_semaphore, #tpu.memory_space<semaphore_mem>>) src(%arg8 : memref<128x128xf32, #tpu.memory_space<vmem>>) dst(%dma_wait3A_103 : memref<10240x128xf32, #tpu.memory_space<vmem_shared>>)
        tpu.yield
      }) : () -> ()
      %mul3A_74 = arith.constant 2 : i32
      %mul3A_75 = arith.muli %mul3A_74, %scan3A_57 : i32
      %add3A_76 = arith.constant 1 : i32
      %add3A_77 = arith.addi %mul3A_75, %add3A_76 : i32
      %dma_wait3A_78 = arith.constant 0 : i32
      %dma_wait3A_79 = tpu.memref_slice %arg6[%add3A_77, %dma_wait3A_78] : memref<40x128xi32, #tpu.memory_space<vmem>> -> memref<1x128xi32, #tpu.memory_space<vmem>>
      %dma_wait3A_80 = tpu.memref_squeeze %dma_wait3A_79 : memref<1x128xi32, #tpu.memory_space<vmem>> -> memref<128xi32, #tpu.memory_space<vmem>>
      %dma_wait3A_81 = arith.constant 0 : i32
      %dma_wait3A_82 = arith.constant 0 : i32
      %dma_wait3A_83 = tpu.memref_slice %arg2[%dma_wait3A_81, %dma_wait3A_82] : memref<10000x128xf32, #tpu.memory_space<hbm>> -> memref<10000x128xf32, #tpu.memory_space<hbm>>
      tpu.wait_indirect_dma semaphore(%arg12 : memref<!tpu.dma_semaphore, #tpu.memory_space<semaphore_mem>>) src(%dma_wait3A_83 : memref<10000x128xf32, #tpu.memory_space<hbm>>) dst(%arg9 : memref<128x128xf32, #tpu.memory_space<vmem>>)
      %add3A_84 = arith.constant 1 : i32
      %add3A_85 = arith.addi %add3A_77, %add3A_84 : i32
      %lt3A_86 = arith.constant 40 : i32
      %lt3A_87 = arith.cmpi slt, %add3A_85, %lt3A_86 : i32
      %convert_element_type3A_88 = arith.extui %lt3A_87 : i1 to i32
      %cond3A_89 = arith.constant 0 : i32
      %cond3A_90 = arith.cmpi ne, %convert_element_type3A_88, %cond3A_89 : i32
      scf.if %cond3A_90 {
        %add3A_91 = arith.constant 1 : i32
        %add3A_92 = arith.addi %add3A_77, %add3A_91 : i32
        %dma_start3A_93 = arith.constant 0 : i32
        %dma_start3A_94 = tpu.memref_slice %arg6[%add3A_92, %dma_start3A_93] : memref<40x128xi32, #tpu.memory_space<vmem>> -> memref<1x128xi32, #tpu.memory_space<vmem>>
        %dma_start3A_95 = tpu.memref_squeeze %dma_start3A_94 : memref<1x128xi32, #tpu.memory_space<vmem>> -> memref<128xi32, #tpu.memory_space<vmem>>
        %dma_start3A_96 = arith.constant 0 : i32
        %dma_start3A_97 = arith.constant 0 : i32
        %dma_start3A_98 = tpu.memref_slice %arg2[%dma_start3A_96, %dma_start3A_97] : memref<10000x128xf32, #tpu.memory_space<hbm>> -> memref<10000x128xf32, #tpu.memory_space<hbm>>
        tpu.enqueue_indirect_dma source(%dma_start3A_98 : memref<10000x128xf32, #tpu.memory_space<hbm>>) target(%arg8 : memref<128x128xf32, #tpu.memory_space<vmem>>) offsets(%dma_start3A_95 : memref<128xi32, #tpu.memory_space<vmem>>) semaphore(%arg11 : memref<!tpu.dma_semaphore, #tpu.memory_space<semaphore_mem>>)
      } else {
      }
      "tpu.region"() ({
        %run_scoped3A_91 = tpu.sem_alloc : memref<!tpu.dma_semaphore, #tpu.memory_space<semaphore_mem>>
        %dma_start3A_92 = arith.constant 0 : i32
        %dma_start3A_93 = tpu.memref_slice %arg7[%add3A_77, %dma_start3A_92] : memref<40x128xi32, #tpu.memory_space<vmem>> -> memref<1x128xi32, #tpu.memory_space<vmem>>
        %dma_start3A_94 = tpu.memref_squeeze %dma_start3A_93 : memref<1x128xi32, #tpu.memory_space<vmem>> -> memref<128xi32, #tpu.memory_space<vmem>>
        %dma_start3A_95 = arith.constant 0 : i32
        %dma_start3A_96 = arith.constant 0 : i32
        %dma_start3A_97 = tpu.memref_slice %arg10[%dma_start3A_95, %dma_start3A_96] : memref<10240x128xf32, #tpu.memory_space<vmem_shared>> -> memref<10240x128xf32, #tpu.memory_space<vmem_shared>>
        tpu.enqueue_indirect_dma source(%arg9 : memref<128x128xf32, #tpu.memory_space<vmem>>) target(%dma_start3A_97 : memref<10240x128xf32, #tpu.memory_space<vmem_shared>>) offsets(%dma_start3A_94 : memref<128xi32, #tpu.memory_space<vmem>>) semaphore(%run_scoped3A_91 : memref<!tpu.dma_semaphore, #tpu.memory_space<semaphore_mem>>) {add = true}
        %dma_wait3A_98 = arith.constant 0 : i32
        %dma_wait3A_99 = tpu.memref_slice %arg7[%add3A_77, %dma_wait3A_98] : memref<40x128xi32, #tpu.memory_space<vmem>> -> memref<1x128xi32, #tpu.memory_space<vmem>>
        %dma_wait3A_100 = tpu.memref_squeeze %dma_wait3A_99 : memref<1x128xi32, #tpu.memory_space<vmem>> -> memref<128xi32, #tpu.memory_space<vmem>>
        %dma_wait3A_101 = arith.constant 0 : i32
        %dma_wait3A_102 = arith.constant 0 : i32
        %dma_wait3A_103 = tpu.memref_slice %arg10[%dma_wait3A_101, %dma_wait3A_102] : memref<10240x128xf32, #tpu.memory_space<vmem_shared>> -> memref<10240x128xf32, #tpu.memory_space<vmem_shared>>
        tpu.wait_indirect_dma semaphore(%run_scoped3A_91 : memref<!tpu.dma_semaphore, #tpu.memory_space<semaphore_mem>>) src(%arg9 : memref<128x128xf32, #tpu.memory_space<vmem>>) dst(%dma_wait3A_103 : memref<10240x128xf32, #tpu.memory_space<vmem_shared>>)
        tpu.yield
      }) : () -> ()
    }
    %scan3A_32 = arith.constant 20 : i32
    %mul3A_33 = arith.constant 80 : i32
    %mul3A_34 = arith.muli %add3A, %mul3A_33 : i32
    %add3A_35 = arith.constant 40 : i32
    %add3A_36 = arith.addi %mul3A_34, %add3A_35 : i32
    %run_scoped3A_37 = arith.constant 0 : i32
    "tpu.region"() ({
      %run_scoped3A_57 = tpu.sem_alloc : memref<!tpu.dma_semaphore, #tpu.memory_space<semaphore_mem>>
      %dma_start3A_58 = arith.constant 0 : i32
      %dma_start3A_59 = tpu.memref_slice %arg3[%run_scoped3A_37, %add3A_36, %dma_start3A_58] : memref<2x2560x128xi32, #tpu.memory_space<hbm>> -> memref<1x40x128xi32, #tpu.memory_space<hbm>>
      %dma_start3A_60 = tpu.memref_squeeze %dma_start3A_59 : memref<1x40x128xi32, #tpu.memory_space<hbm>> -> memref<40x128xi32, #tpu.memory_space<hbm>>
      %dma_start3A_61 = arith.constant 0 : i32
      %dma_start3A_62 = tpu.memref_slice %arg3[%run_scoped3A_37, %add3A_36, %dma_start3A_61] : memref<2x2560x128xi32, #tpu.memory_space<hbm>> -> memref<1x40x128xi32, #tpu.memory_space<hbm>>
      %dma_start3A_63 = tpu.memref_squeeze %dma_start3A_62 : memref<1x40x128xi32, #tpu.memory_space<hbm>> -> memref<40x128xi32, #tpu.memory_space<hbm>>
      tpu.enqueue_dma source(%dma_start3A_63 : memref<40x128xi32, #tpu.memory_space<hbm>>) target(%arg6 : memref<40x128xi32, #tpu.memory_space<vmem>>) target_semaphore(%run_scoped3A_57 : memref<!tpu.dma_semaphore, #tpu.memory_space<semaphore_mem>>)
      %dma_wait3A = arith.constant 0 : i32
      %dma_wait3A_64 = tpu.memref_slice %arg3[%run_scoped3A_37, %add3A_36, %dma_wait3A] : memref<2x2560x128xi32, #tpu.memory_space<hbm>> -> memref<1x40x128xi32, #tpu.memory_space<hbm>>
      %dma_wait3A_65 = tpu.memref_squeeze %dma_wait3A_64 : memref<1x40x128xi32, #tpu.memory_space<hbm>> -> memref<40x128xi32, #tpu.memory_space<hbm>>
      %dma_wait3A_66 = arith.constant 0 : i32
      %dma_wait3A_67 = tpu.memref_slice %arg3[%run_scoped3A_37, %add3A_36, %dma_wait3A_66] : memref<2x2560x128xi32, #tpu.memory_space<hbm>> -> memref<1x40x128xi32, #tpu.memory_space<hbm>>
      %dma_wait3A_68 = tpu.memref_squeeze %dma_wait3A_67 : memref<1x40x128xi32, #tpu.memory_space<hbm>> -> memref<40x128xi32, #tpu.memory_space<hbm>>
      tpu.wait_dma2 semaphore(%run_scoped3A_57 : memref<!tpu.dma_semaphore, #tpu.memory_space<semaphore_mem>>) src(%dma_wait3A_68 : memref<40x128xi32, #tpu.memory_space<hbm>>) dst(%arg6 : memref<40x128xi32, #tpu.memory_space<vmem>>)
      tpu.yield
    }) : () -> ()
    %run_scoped3A_38 = arith.constant 1 : i32
    "tpu.region"() ({
      %run_scoped3A_57 = tpu.sem_alloc : memref<!tpu.dma_semaphore, #tpu.memory_space<semaphore_mem>>
      %dma_start3A_58 = arith.constant 0 : i32
      %dma_start3A_59 = tpu.memref_slice %arg3[%run_scoped3A_38, %add3A_36, %dma_start3A_58] : memref<2x2560x128xi32, #tpu.memory_space<hbm>> -> memref<1x40x128xi32, #tpu.memory_space<hbm>>
      %dma_start3A_60 = tpu.memref_squeeze %dma_start3A_59 : memref<1x40x128xi32, #tpu.memory_space<hbm>> -> memref<40x128xi32, #tpu.memory_space<hbm>>
      %dma_start3A_61 = arith.constant 0 : i32
      %dma_start3A_62 = tpu.memref_slice %arg3[%run_scoped3A_38, %add3A_36, %dma_start3A_61] : memref<2x2560x128xi32, #tpu.memory_space<hbm>> -> memref<1x40x128xi32, #tpu.memory_space<hbm>>
      %dma_start3A_63 = tpu.memref_squeeze %dma_start3A_62 : memref<1x40x128xi32, #tpu.memory_space<hbm>> -> memref<40x128xi32, #tpu.memory_space<hbm>>
      tpu.enqueue_dma source(%dma_start3A_63 : memref<40x128xi32, #tpu.memory_space<hbm>>) target(%arg7 : memref<40x128xi32, #tpu.memory_space<vmem>>) target_semaphore(%run_scoped3A_57 : memref<!tpu.dma_semaphore, #tpu.memory_space<semaphore_mem>>)
      %dma_wait3A = arith.constant 0 : i32
      %dma_wait3A_64 = tpu.memref_slice %arg3[%run_scoped3A_38, %add3A_36, %dma_wait3A] : memref<2x2560x128xi32, #tpu.memory_space<hbm>> -> memref<1x40x128xi32, #tpu.memory_space<hbm>>
      %dma_wait3A_65 = tpu.memref_squeeze %dma_wait3A_64 : memref<1x40x128xi32, #tpu.memory_space<hbm>> -> memref<40x128xi32, #tpu.memory_space<hbm>>
      %dma_wait3A_66 = arith.constant 0 : i32
      %dma_wait3A_67 = tpu.memref_slice %arg3[%run_scoped3A_38, %add3A_36, %dma_wait3A_66] : memref<2x2560x128xi32, #tpu.memory_space<hbm>> -> memref<1x40x128xi32, #tpu.memory_space<hbm>>
      %dma_wait3A_68 = tpu.memref_squeeze %dma_wait3A_67 : memref<1x40x128xi32, #tpu.memory_space<hbm>> -> memref<40x128xi32, #tpu.memory_space<hbm>>
      tpu.wait_dma2 semaphore(%run_scoped3A_57 : memref<!tpu.dma_semaphore, #tpu.memory_space<semaphore_mem>>) src(%dma_wait3A_68 : memref<40x128xi32, #tpu.memory_space<hbm>>) dst(%arg7 : memref<40x128xi32, #tpu.memory_space<vmem>>)
      tpu.yield
    }) : () -> ()
    %dma_start3A_39 = arith.constant 0 : i32
    %dma_start3A_40 = arith.constant 0 : i32
    %dma_start3A_41 = tpu.memref_slice %arg6[%dma_start3A_39, %dma_start3A_40] : memref<40x128xi32, #tpu.memory_space<vmem>> -> memref<1x128xi32, #tpu.memory_space<vmem>>
    %dma_start3A_42 = tpu.memref_squeeze %dma_start3A_41 : memref<1x128xi32, #tpu.memory_space<vmem>> -> memref<128xi32, #tpu.memory_space<vmem>>
    %dma_start3A_43 = arith.constant 0 : i32
    %dma_start3A_44 = arith.constant 0 : i32
    %dma_start3A_45 = tpu.memref_slice %arg2[%dma_start3A_43, %dma_start3A_44] : memref<10000x128xf32, #tpu.memory_space<hbm>> -> memref<10000x128xf32, #tpu.memory_space<hbm>>
    tpu.enqueue_indirect_dma source(%dma_start3A_45 : memref<10000x128xf32, #tpu.memory_space<hbm>>) target(%arg8 : memref<128x128xf32, #tpu.memory_space<vmem>>) offsets(%dma_start3A_42 : memref<128xi32, #tpu.memory_space<vmem>>) semaphore(%arg11 : memref<!tpu.dma_semaphore, #tpu.memory_space<semaphore_mem>>)
    %scan3A_46 = arith.constant 0 : i32
    %scan3A_47 = arith.constant 0 : i32
    %scan3A_48 = arith.constant 20 : i32
    %scan3A_49 = arith.addi %scan3A_47, %scan3A_48 : i32
    %scan3A_50 = arith.constant 1 : i32
    scf.for %scan3A_57 = %scan3A_47 to %scan3A_49 step %scan3A_50  : i32 {
      %mul3A_58 = arith.constant 2 : i32
      %mul3A_59 = arith.muli %mul3A_58, %scan3A_57 : i32
      %add3A_60 = arith.constant 0 : i32
      %add3A_61 = arith.addi %mul3A_59, %add3A_60 : i32
      %dma_wait3A = arith.constant 0 : i32
      %dma_wait3A_62 = tpu.memref_slice %arg6[%add3A_61, %dma_wait3A] : memref<40x128xi32, #tpu.memory_space<vmem>> -> memref<1x128xi32, #tpu.memory_space<vmem>>
      %dma_wait3A_63 = tpu.memref_squeeze %dma_wait3A_62 : memref<1x128xi32, #tpu.memory_space<vmem>> -> memref<128xi32, #tpu.memory_space<vmem>>
      %dma_wait3A_64 = arith.constant 0 : i32
      %dma_wait3A_65 = arith.constant 0 : i32
      %dma_wait3A_66 = tpu.memref_slice %arg2[%dma_wait3A_64, %dma_wait3A_65] : memref<10000x128xf32, #tpu.memory_space<hbm>> -> memref<10000x128xf32, #tpu.memory_space<hbm>>
      tpu.wait_indirect_dma semaphore(%arg11 : memref<!tpu.dma_semaphore, #tpu.memory_space<semaphore_mem>>) src(%dma_wait3A_66 : memref<10000x128xf32, #tpu.memory_space<hbm>>) dst(%arg8 : memref<128x128xf32, #tpu.memory_space<vmem>>)
      %add3A_67 = arith.constant 1 : i32
      %add3A_68 = arith.addi %add3A_61, %add3A_67 : i32
      %lt3A_69 = arith.constant 40 : i32
      %lt3A_70 = arith.cmpi slt, %add3A_68, %lt3A_69 : i32
      %convert_element_type3A_71 = arith.extui %lt3A_70 : i1 to i32
      %cond3A_72 = arith.constant 0 : i32
      %cond3A_73 = arith.cmpi ne, %convert_element_type3A_71, %cond3A_72 : i32
      scf.if %cond3A_73 {
        %add3A_91 = arith.constant 1 : i32
        %add3A_92 = arith.addi %add3A_61, %add3A_91 : i32
        %dma_start3A_93 = arith.constant 0 : i32
        %dma_start3A_94 = tpu.memref_slice %arg6[%add3A_92, %dma_start3A_93] : memref<40x128xi32, #tpu.memory_space<vmem>> -> memref<1x128xi32, #tpu.memory_space<vmem>>
        %dma_start3A_95 = tpu.memref_squeeze %dma_start3A_94 : memref<1x128xi32, #tpu.memory_space<vmem>> -> memref<128xi32, #tpu.memory_space<vmem>>
        %dma_start3A_96 = arith.constant 0 : i32
        %dma_start3A_97 = arith.constant 0 : i32
        %dma_start3A_98 = tpu.memref_slice %arg2[%dma_start3A_96, %dma_start3A_97] : memref<10000x128xf32, #tpu.memory_space<hbm>> -> memref<10000x128xf32, #tpu.memory_space<hbm>>
        tpu.enqueue_indirect_dma source(%dma_start3A_98 : memref<10000x128xf32, #tpu.memory_space<hbm>>) target(%arg9 : memref<128x128xf32, #tpu.memory_space<vmem>>) offsets(%dma_start3A_95 : memref<128xi32, #tpu.memory_space<vmem>>) semaphore(%arg12 : memref<!tpu.dma_semaphore, #tpu.memory_space<semaphore_mem>>)
      } else {
      }
      "tpu.region"() ({
        %run_scoped3A_91 = tpu.sem_alloc : memref<!tpu.dma_semaphore, #tpu.memory_space<semaphore_mem>>
        %dma_start3A_92 = arith.constant 0 : i32
        %dma_start3A_93 = tpu.memref_slice %arg7[%add3A_61, %dma_start3A_92] : memref<40x128xi32, #tpu.memory_space<vmem>> -> memref<1x128xi32, #tpu.memory_space<vmem>>
        %dma_start3A_94 = tpu.memref_squeeze %dma_start3A_93 : memref<1x128xi32, #tpu.memory_space<vmem>> -> memref<128xi32, #tpu.memory_space<vmem>>
        %dma_start3A_95 = arith.constant 0 : i32
        %dma_start3A_96 = arith.constant 0 : i32
        %dma_start3A_97 = tpu.memref_slice %arg10[%dma_start3A_95, %dma_start3A_96] : memref<10240x128xf32, #tpu.memory_space<vmem_shared>> -> memref<10240x128xf32, #tpu.memory_space<vmem_shared>>
        tpu.enqueue_indirect_dma source(%arg8 : memref<128x128xf32, #tpu.memory_space<vmem>>) target(%dma_start3A_97 : memref<10240x128xf32, #tpu.memory_space<vmem_shared>>) offsets(%dma_start3A_94 : memref<128xi32, #tpu.memory_space<vmem>>) semaphore(%run_scoped3A_91 : memref<!tpu.dma_semaphore, #tpu.memory_space<semaphore_mem>>) {add = true}
        %dma_wait3A_98 = arith.constant 0 : i32
        %dma_wait3A_99 = tpu.memref_slice %arg7[%add3A_61, %dma_wait3A_98] : memref<40x128xi32, #tpu.memory_space<vmem>> -> memref<1x128xi32, #tpu.memory_space<vmem>>
        %dma_wait3A_100 = tpu.memref_squeeze %dma_wait3A_99 : memref<1x128xi32, #tpu.memory_space<vmem>> -> memref<128xi32, #tpu.memory_space<vmem>>
        %dma_wait3A_101 = arith.constant 0 : i32
        %dma_wait3A_102 = arith.constant 0 : i32
        %dma_wait3A_103 = tpu.memref_slice %arg10[%dma_wait3A_101, %dma_wait3A_102] : memref<10240x128xf32, #tpu.memory_space<vmem_shared>> -> memref<10240x128xf32, #tpu.memory_space<vmem_shared>>
        tpu.wait_indirect_dma semaphore(%run_scoped3A_91 : memref<!tpu.dma_semaphore, #tpu.memory_space<semaphore_mem>>) src(%arg8 : memref<128x128xf32, #tpu.memory_space<vmem>>) dst(%dma_wait3A_103 : memref<10240x128xf32, #tpu.memory_space<vmem_shared>>)
        tpu.yield
      }) : () -> ()
      %mul3A_74 = arith.constant 2 : i32
      %mul3A_75 = arith.muli %mul3A_74, %scan3A_57 : i32
      %add3A_76 = arith.constant 1 : i32
      %add3A_77 = arith.addi %mul3A_75, %add3A_76 : i32
      %dma_wait3A_78 = arith.constant 0 : i32
      %dma_wait3A_79 = tpu.memref_slice %arg6[%add3A_77, %dma_wait3A_78] : memref<40x128xi32, #tpu.memory_space<vmem>> -> memref<1x128xi32, #tpu.memory_space<vmem>>
      %dma_wait3A_80 = tpu.memref_squeeze %dma_wait3A_79 : memref<1x128xi32, #tpu.memory_space<vmem>> -> memref<128xi32, #tpu.memory_space<vmem>>
      %dma_wait3A_81 = arith.constant 0 : i32
      %dma_wait3A_82 = arith.constant 0 : i32
      %dma_wait3A_83 = tpu.memref_slice %arg2[%dma_wait3A_81, %dma_wait3A_82] : memref<10000x128xf32, #tpu.memory_space<hbm>> -> memref<10000x128xf32, #tpu.memory_space<hbm>>
      tpu.wait_indirect_dma semaphore(%arg12 : memref<!tpu.dma_semaphore, #tpu.memory_space<semaphore_mem>>) src(%dma_wait3A_83 : memref<10000x128xf32, #tpu.memory_space<hbm>>) dst(%arg9 : memref<128x128xf32, #tpu.memory_space<vmem>>)
      %add3A_84 = arith.constant 1 : i32
      %add3A_85 = arith.addi %add3A_77, %add3A_84 : i32
      %lt3A_86 = arith.constant 40 : i32
      %lt3A_87 = arith.cmpi slt, %add3A_85, %lt3A_86 : i32
      %convert_element_type3A_88 = arith.extui %lt3A_87 : i1 to i32
      %cond3A_89 = arith.constant 0 : i32
      %cond3A_90 = arith.cmpi ne, %convert_element_type3A_88, %cond3A_89 : i32
      scf.if %cond3A_90 {
        %add3A_91 = arith.constant 1 : i32
        %add3A_92 = arith.addi %add3A_77, %add3A_91 : i32
        %dma_start3A_93 = arith.constant 0 : i32
        %dma_start3A_94 = tpu.memref_slice %arg6[%add3A_92, %dma_start3A_93] : memref<40x128xi32, #tpu.memory_space<vmem>> -> memref<1x128xi32, #tpu.memory_space<vmem>>
        %dma_start3A_95 = tpu.memref_squeeze %dma_start3A_94 : memref<1x128xi32, #tpu.memory_space<vmem>> -> memref<128xi32, #tpu.memory_space<vmem>>
        %dma_start3A_96 = arith.constant 0 : i32
        %dma_start3A_97 = arith.constant 0 : i32
        %dma_start3A_98 = tpu.memref_slice %arg2[%dma_start3A_96, %dma_start3A_97] : memref<10000x128xf32, #tpu.memory_space<hbm>> -> memref<10000x128xf32, #tpu.memory_space<hbm>>
        tpu.enqueue_indirect_dma source(%dma_start3A_98 : memref<10000x128xf32, #tpu.memory_space<hbm>>) target(%arg8 : memref<128x128xf32, #tpu.memory_space<vmem>>) offsets(%dma_start3A_95 : memref<128xi32, #tpu.memory_space<vmem>>) semaphore(%arg11 : memref<!tpu.dma_semaphore, #tpu.memory_space<semaphore_mem>>)
      } else {
      }
      "tpu.region"() ({
        %run_scoped3A_91 = tpu.sem_alloc : memref<!tpu.dma_semaphore, #tpu.memory_space<semaphore_mem>>
        %dma_start3A_92 = arith.constant 0 : i32
        %dma_start3A_93 = tpu.memref_slice %arg7[%add3A_77, %dma_start3A_92] : memref<40x128xi32, #tpu.memory_space<vmem>> -> memref<1x128xi32, #tpu.memory_space<vmem>>
        %dma_start3A_94 = tpu.memref_squeeze %dma_start3A_93 : memref<1x128xi32, #tpu.memory_space<vmem>> -> memref<128xi32, #tpu.memory_space<vmem>>
        %dma_start3A_95 = arith.constant 0 : i32
        %dma_start3A_96 = arith.constant 0 : i32
        %dma_start3A_97 = tpu.memref_slice %arg10[%dma_start3A_95, %dma_start3A_96] : memref<10240x128xf32, #tpu.memory_space<vmem_shared>> -> memref<10240x128xf32, #tpu.memory_space<vmem_shared>>
        tpu.enqueue_indirect_dma source(%arg9 : memref<128x128xf32, #tpu.memory_space<vmem>>) target(%dma_start3A_97 : memref<10240x128xf32, #tpu.memory_space<vmem_shared>>) offsets(%dma_start3A_94 : memref<128xi32, #tpu.memory_space<vmem>>) semaphore(%run_scoped3A_91 : memref<!tpu.dma_semaphore, #tpu.memory_space<semaphore_mem>>) {add = true}
        %dma_wait3A_98 = arith.constant 0 : i32
        %dma_wait3A_99 = tpu.memref_slice %arg7[%add3A_77, %dma_wait3A_98] : memref<40x128xi32, #tpu.memory_space<vmem>> -> memref<1x128xi32, #tpu.memory_space<vmem>>
        %dma_wait3A_100 = tpu.memref_squeeze %dma_wait3A_99 : memref<1x128xi32, #tpu.memory_space<vmem>> -> memref<128xi32, #tpu.memory_space<vmem>>
        %dma_wait3A_101 = arith.constant 0 : i32
        %dma_wait3A_102 = arith.constant 0 : i32
        %dma_wait3A_103 = tpu.memref_slice %arg10[%dma_wait3A_101, %dma_wait3A_102] : memref<10240x128xf32, #tpu.memory_space<vmem_shared>> -> memref<10240x128xf32, #tpu.memory_space<vmem_shared>>
        tpu.wait_indirect_dma semaphore(%run_scoped3A_91 : memref<!tpu.dma_semaphore, #tpu.memory_space<semaphore_mem>>) src(%arg9 : memref<128x128xf32, #tpu.memory_space<vmem>>) dst(%dma_wait3A_103 : memref<10240x128xf32, #tpu.memory_space<vmem_shared>>)
        tpu.yield
      }) : () -> ()
    }
    %scan3A_51 = arith.constant 20 : i32
    %barrier3A_52 = arith.constant 0 : index
    tpu.barrier barrier_id(%barrier3A_52)
    %mul3A_53 = arith.constant 640 : i32
    %mul3A_54 = arith.muli %arg1, %mul3A_53 : i32
    %mul3A_55 = arith.constant 640 : i32
    %mul3A_56 = arith.muli %arg1, %mul3A_55 : i32
    "tpu.region"() ({
      %run_scoped3A_57 = tpu.sem_alloc : memref<!tpu.dma_semaphore, #tpu.memory_space<semaphore_mem>>
      %dma_start3A_58 = arith.constant 0 : i32
      %dma_start3A_59 = tpu.memref_slice %arg5[%arg0, %mul3A_56, %dma_start3A_58] : memref<2x10240x128xf32, #tpu.memory_space<hbm>> -> memref<1x640x128xf32, #tpu.memory_space<hbm>>
      %dma_start3A_60 = tpu.memref_squeeze %dma_start3A_59 : memref<1x640x128xf32, #tpu.memory_space<hbm>> -> memref<640x128xf32, #tpu.memory_space<hbm>>
      %dma_start3A_61 = arith.constant 0 : i32
      %dma_start3A_62 = tpu.memref_slice %arg10[%mul3A_54, %dma_start3A_61] : memref<10240x128xf32, #tpu.memory_space<vmem_shared>> -> memref<640x128xf32, #tpu.memory_space<vmem_shared>>
      tpu.enqueue_dma source(%dma_start3A_62 : memref<640x128xf32, #tpu.memory_space<vmem_shared>>) target(%dma_start3A_60 : memref<640x128xf32, #tpu.memory_space<hbm>>) target_semaphore(%run_scoped3A_57 : memref<!tpu.dma_semaphore, #tpu.memory_space<semaphore_mem>>)
      %dma_wait3A = arith.constant 0 : i32
      %dma_wait3A_63 = tpu.memref_slice %arg5[%arg0, %mul3A_56, %dma_wait3A] : memref<2x10240x128xf32, #tpu.memory_space<hbm>> -> memref<1x640x128xf32, #tpu.memory_space<hbm>>
      %dma_wait3A_64 = tpu.memref_squeeze %dma_wait3A_63 : memref<1x640x128xf32, #tpu.memory_space<hbm>> -> memref<640x128xf32, #tpu.memory_space<hbm>>
      %dma_wait3A_65 = arith.constant 0 : i32
      %dma_wait3A_66 = tpu.memref_slice %arg10[%mul3A_54, %dma_wait3A_65] : memref<10240x128xf32, #tpu.memory_space<vmem_shared>> -> memref<640x128xf32, #tpu.memory_space<vmem_shared>>
      tpu.wait_dma2 semaphore(%run_scoped3A_57 : memref<!tpu.dma_semaphore, #tpu.memory_space<semaphore_mem>>) src(%dma_wait3A_66 : memref<640x128xf32, #tpu.memory_space<vmem_shared>>) dst(%dma_wait3A_64 : memref<640x128xf32, #tpu.memory_space<hbm>>)
      tpu.yield
    }) : () -> ()
    return
  }
}

#map = affine_map<(d0, d1) -> (0, 0)>
#map1 = affine_map<(d0, d1) -> (0, 0, 0)>
module attributes {stable_mosaic.version = 14 : i64} {
  func.func @_sc_scatter_body(%arg0: i32, %arg1: i32, %arg2: memref<10000x128xf32, #tpu.memory_space<hbm>>, %arg3: memref<2x2560x128xi32, #tpu.memory_space<hbm>>, %arg4: memref<640x128xf32, #tpu.memory_space<hbm>>, %arg5: memref<2x10240x128xf32, #tpu.memory_space<hbm>>, %arg6: memref<40x128xi32, #tpu.memory_space<vmem>>, %arg7: memref<40x128xi32, #tpu.memory_space<vmem>>, %arg8: memref<128x128xf32, #tpu.memory_space<vmem>>, %arg9: memref<128x128xf32, #tpu.memory_space<vmem>>, %arg10: memref<10240x128xf32, #tpu.memory_space<vmem_shared>>, %arg11: memref<!tpu.dma_semaphore, #tpu.memory_space<semaphore_mem>>, %arg12: memref<!tpu.dma_semaphore, #tpu.memory_space<semaphore_mem>>) attributes {dimension_semantics = [#tpu.dimension_semantics<core_parallel>, #tpu.dimension_semantics<subcore_parallel>], iteration_bounds = array<i64: 2, 16>, scalar_prefetch = 0 : i64, scratch_operands = 7 : i64, tpu.core_type = #tpu.core_type<sc_vector_subcore>, window_params = [{transform_indices = #map}, {transform_indices = #map1}, {transform_indices = #map}, {transform_indices = #map1}]} {
    %mul3A = arith.constant 16 : i32
    %mul3A_0 = arith.muli %arg0, %mul3A : i32
    %add3A = arith.addi %mul3A_0, %arg1 : i32
    %mul3A_1 = arith.constant 80 : i32
    %mul3A_2 = arith.muli %add3A, %mul3A_1 : i32
    %add3A_3 = arith.constant 0 : i32
    %add3A_4 = arith.addi %mul3A_2, %add3A_3 : i32
    %run_scoped3A = arith.constant 0 : i32
    "tpu.region"() ({
      %run_scoped3A_57 = tpu.sem_alloc : memref<!tpu.dma_semaphore, #tpu.memory_space<semaphore_mem>>
      %dma_start3A_58 = arith.constant 0 : i32
      %dma_start3A_59 = tpu.memref_slice %arg3[%run_scoped3A, %add3A_4, %dma_start3A_58] : memref<2x2560x128xi32, #tpu.memory_space<hbm>> -> memref<1x40x128xi32, #tpu.memory_space<hbm>>
      %dma_start3A_60 = tpu.memref_squeeze %dma_start3A_59 : memref<1x40x128xi32, #tpu.memory_space<hbm>> -> memref<40x128xi32, #tpu.memory_space<hbm>>
      %dma_start3A_61 = arith.constant 0 : i32
      %dma_start3A_62 = tpu.memref_slice %arg3[%run_scoped3A, %add3A_4, %dma_start3A_61] : memref<2x2560x128xi32, #tpu.memory_space<hbm>> -> memref<1x40x128xi32, #tpu.memory_space<hbm>>
      %dma_start3A_63 = tpu.memref_squeeze %dma_start3A_62 : memref<1x40x128xi32, #tpu.memory_space<hbm>> -> memref<40x128xi32, #tpu.memory_space<hbm>>
      tpu.enqueue_dma source(%dma_start3A_63 : memref<40x128xi32, #tpu.memory_space<hbm>>) target(%arg6 : memref<40x128xi32, #tpu.memory_space<vmem>>) target_semaphore(%run_scoped3A_57 : memref<!tpu.dma_semaphore, #tpu.memory_space<semaphore_mem>>)
      %dma_wait3A = arith.constant 0 : i32
      %dma_wait3A_64 = tpu.memref_slice %arg3[%run_scoped3A, %add3A_4, %dma_wait3A] : memref<2x2560x128xi32, #tpu.memory_space<hbm>> -> memref<1x40x128xi32, #tpu.memory_space<hbm>>
      %dma_wait3A_65 = tpu.memref_squeeze %dma_wait3A_64 : memref<1x40x128xi32, #tpu.memory_space<hbm>> -> memref<40x128xi32, #tpu.memory_space<hbm>>
      %dma_wait3A_66 = arith.constant 0 : i32
      %dma_wait3A_67 = tpu.memref_slice %arg3[%run_scoped3A, %add3A_4, %dma_wait3A_66] : memref<2x2560x128xi32, #tpu.memory_space<hbm>> -> memref<1x40x128xi32, #tpu.memory_space<hbm>>
      %dma_wait3A_68 = tpu.memref_squeeze %dma_wait3A_67 : memref<1x40x128xi32, #tpu.memory_space<hbm>> -> memref<40x128xi32, #tpu.memory_space<hbm>>
      tpu.wait_dma2 semaphore(%run_scoped3A_57 : memref<!tpu.dma_semaphore, #tpu.memory_space<semaphore_mem>>) src(%dma_wait3A_68 : memref<40x128xi32, #tpu.memory_space<hbm>>) dst(%arg6 : memref<40x128xi32, #tpu.memory_space<vmem>>)
      tpu.yield
    }) : () -> ()
    %run_scoped3A_5 = arith.constant 1 : i32
    "tpu.region"() ({
      %run_scoped3A_57 = tpu.sem_alloc : memref<!tpu.dma_semaphore, #tpu.memory_space<semaphore_mem>>
      %dma_start3A_58 = arith.constant 0 : i32
      %dma_start3A_59 = tpu.memref_slice %arg3[%run_scoped3A_5, %add3A_4, %dma_start3A_58] : memref<2x2560x128xi32, #tpu.memory_space<hbm>> -> memref<1x40x128xi32, #tpu.memory_space<hbm>>
      %dma_start3A_60 = tpu.memref_squeeze %dma_start3A_59 : memref<1x40x128xi32, #tpu.memory_space<hbm>> -> memref<40x128xi32, #tpu.memory_space<hbm>>
      %dma_start3A_61 = arith.constant 0 : i32
      %dma_start3A_62 = tpu.memref_slice %arg3[%run_scoped3A_5, %add3A_4, %dma_start3A_61] : memref<2x2560x128xi32, #tpu.memory_space<hbm>> -> memref<1x40x128xi32, #tpu.memory_space<hbm>>
      %dma_start3A_63 = tpu.memref_squeeze %dma_start3A_62 : memref<1x40x128xi32, #tpu.memory_space<hbm>> -> memref<40x128xi32, #tpu.memory_space<hbm>>
      tpu.enqueue_dma source(%dma_start3A_63 : memref<40x128xi32, #tpu.memory_space<hbm>>) target(%arg7 : memref<40x128xi32, #tpu.memory_space<vmem>>) target_semaphore(%run_scoped3A_57 : memref<!tpu.dma_semaphore, #tpu.memory_space<semaphore_mem>>)
      %dma_wait3A = arith.constant 0 : i32
      %dma_wait3A_64 = tpu.memref_slice %arg3[%run_scoped3A_5, %add3A_4, %dma_wait3A] : memref<2x2560x128xi32, #tpu.memory_space<hbm>> -> memref<1x40x128xi32, #tpu.memory_space<hbm>>
      %dma_wait3A_65 = tpu.memref_squeeze %dma_wait3A_64 : memref<1x40x128xi32, #tpu.memory_space<hbm>> -> memref<40x128xi32, #tpu.memory_space<hbm>>
      %dma_wait3A_66 = arith.constant 0 : i32
      %dma_wait3A_67 = tpu.memref_slice %arg3[%run_scoped3A_5, %add3A_4, %dma_wait3A_66] : memref<2x2560x128xi32, #tpu.memory_space<hbm>> -> memref<1x40x128xi32, #tpu.memory_space<hbm>>
      %dma_wait3A_68 = tpu.memref_squeeze %dma_wait3A_67 : memref<1x40x128xi32, #tpu.memory_space<hbm>> -> memref<40x128xi32, #tpu.memory_space<hbm>>
      tpu.wait_dma2 semaphore(%run_scoped3A_57 : memref<!tpu.dma_semaphore, #tpu.memory_space<semaphore_mem>>) src(%dma_wait3A_68 : memref<40x128xi32, #tpu.memory_space<hbm>>) dst(%arg7 : memref<40x128xi32, #tpu.memory_space<vmem>>)
      tpu.yield
    }) : () -> ()
    %dma_start3A = arith.constant 0 : i32
    %dma_start3A_6 = arith.constant 0 : i32
    %dma_start3A_7 = tpu.memref_slice %arg6[%dma_start3A, %dma_start3A_6] : memref<40x128xi32, #tpu.memory_space<vmem>> -> memref<1x128xi32, #tpu.memory_space<vmem>>
    %dma_start3A_8 = tpu.memref_squeeze %dma_start3A_7 : memref<1x128xi32, #tpu.memory_space<vmem>> -> memref<128xi32, #tpu.memory_space<vmem>>
    %dma_start3A_9 = arith.constant 0 : i32
    %dma_start3A_10 = arith.constant 0 : i32
    %dma_start3A_11 = tpu.memref_slice %arg2[%dma_start3A_9, %dma_start3A_10] : memref<10000x128xf32, #tpu.memory_space<hbm>> -> memref<10000x128xf32, #tpu.memory_space<hbm>>
    tpu.enqueue_indirect_dma source(%dma_start3A_11 : memref<10000x128xf32, #tpu.memory_space<hbm>>) target(%arg8 : memref<128x128xf32, #tpu.memory_space<vmem>>) offsets(%dma_start3A_8 : memref<128xi32, #tpu.memory_space<vmem>>) semaphore(%arg11 : memref<!tpu.dma_semaphore, #tpu.memory_space<semaphore_mem>>)
    %eq3A = arith.constant 0 : i32
    %eq3A_12 = arith.cmpi eq, %arg0, %eq3A : i32
    %lt3A = arith.constant 15 : i32
    %lt3A_13 = arith.cmpi slt, %arg1, %lt3A : i32
    %and3A = arith.andi %eq3A_12, %lt3A_13 : i1
    %convert_element_type3A = arith.extui %and3A : i1 to i32
    %cond3A = arith.constant 0 : i32
    %cond3A_14 = arith.cmpi ne, %convert_element_type3A, %cond3A : i32
    scf.if %cond3A_14 {
      %mul3A_57 = arith.constant 640 : i32
      %mul3A_58 = arith.muli %arg1, %mul3A_57 : i32
      %mul3A_59 = arith.constant 640 : i32
      %mul3A_60 = arith.muli %arg1, %mul3A_59 : i32
      "tpu.region"() ({
        %run_scoped3A_61 = tpu.sem_alloc : memref<!tpu.dma_semaphore, #tpu.memory_space<semaphore_mem>>
        %dma_start3A_62 = arith.constant 0 : i32
        %dma_start3A_63 = tpu.memref_slice %arg10[%mul3A_60, %dma_start3A_62] : memref<10240x128xf32, #tpu.memory_space<vmem_shared>> -> memref<640x128xf32, #tpu.memory_space<vmem_shared>>
        %dma_start3A_64 = arith.constant 0 : i32
        %dma_start3A_65 = tpu.memref_slice %arg2[%mul3A_58, %dma_start3A_64] : memref<10000x128xf32, #tpu.memory_space<hbm>> -> memref<640x128xf32, #tpu.memory_space<hbm>>
        tpu.enqueue_dma source(%dma_start3A_65 : memref<640x128xf32, #tpu.memory_space<hbm>>) target(%dma_start3A_63 : memref<640x128xf32, #tpu.memory_space<vmem_shared>>) target_semaphore(%run_scoped3A_61 : memref<!tpu.dma_semaphore, #tpu.memory_space<semaphore_mem>>)
        %dma_wait3A = arith.constant 0 : i32
        %dma_wait3A_66 = tpu.memref_slice %arg10[%mul3A_60, %dma_wait3A] : memref<10240x128xf32, #tpu.memory_space<vmem_shared>> -> memref<640x128xf32, #tpu.memory_space<vmem_shared>>
        %dma_wait3A_67 = arith.constant 0 : i32
        %dma_wait3A_68 = tpu.memref_slice %arg2[%mul3A_58, %dma_wait3A_67] : memref<10000x128xf32, #tpu.memory_space<hbm>> -> memref<640x128xf32, #tpu.memory_space<hbm>>
        tpu.wait_dma2 semaphore(%run_scoped3A_61 : memref<!tpu.dma_semaphore, #tpu.memory_space<semaphore_mem>>) src(%dma_wait3A_68 : memref<640x128xf32, #tpu.memory_space<hbm>>) dst(%dma_wait3A_66 : memref<640x128xf32, #tpu.memory_space<vmem_shared>>)
        tpu.yield
      }) : () -> ()
    } else {
    }
    %eq3A_15 = arith.constant 0 : i32
    %eq3A_16 = arith.cmpi eq, %arg0, %eq3A_15 : i32
    %eq3A_17 = arith.constant 15 : i32
    %eq3A_18 = arith.cmpi eq, %arg1, %eq3A_17 : i32
    %and3A_19 = arith.andi %eq3A_16, %eq3A_18 : i1
    %convert_element_type3A_20 = arith.extui %and3A_19 : i1 to i32
    %cond3A_21 = arith.constant 0 : i32
    %cond3A_22 = arith.cmpi ne, %convert_element_type3A_20, %cond3A_21 : i32
    scf.if %cond3A_22 {
      "tpu.region"() ({
        %run_scoped3A_57 = tpu.sem_alloc : memref<!tpu.dma_semaphore, #tpu.memory_space<semaphore_mem>>
        %dma_start3A_58 = arith.constant 9600 : i32
        %dma_start3A_59 = arith.constant 0 : i32
        %dma_start3A_60 = tpu.memref_slice %arg10[%dma_start3A_58, %dma_start3A_59] : memref<10240x128xf32, #tpu.memory_space<vmem_shared>> -> memref<400x128xf32, #tpu.memory_space<vmem_shared>>
        %dma_start3A_61 = arith.constant 9600 : i32
        %dma_start3A_62 = arith.constant 0 : i32
        %dma_start3A_63 = tpu.memref_slice %arg2[%dma_start3A_61, %dma_start3A_62] : memref<10000x128xf32, #tpu.memory_space<hbm>> -> memref<400x128xf32, #tpu.memory_space<hbm>>
        tpu.enqueue_dma source(%dma_start3A_63 : memref<400x128xf32, #tpu.memory_space<hbm>>) target(%dma_start3A_60 : memref<400x128xf32, #tpu.memory_space<vmem_shared>>) target_semaphore(%run_scoped3A_57 : memref<!tpu.dma_semaphore, #tpu.memory_space<semaphore_mem>>)
        %dma_wait3A = arith.constant 9600 : i32
        %dma_wait3A_64 = arith.constant 0 : i32
        %dma_wait3A_65 = tpu.memref_slice %arg10[%dma_wait3A, %dma_wait3A_64] : memref<10240x128xf32, #tpu.memory_space<vmem_shared>> -> memref<400x128xf32, #tpu.memory_space<vmem_shared>>
        %dma_wait3A_66 = arith.constant 9600 : i32
        %dma_wait3A_67 = arith.constant 0 : i32
        %dma_wait3A_68 = tpu.memref_slice %arg2[%dma_wait3A_66, %dma_wait3A_67] : memref<10000x128xf32, #tpu.memory_space<hbm>> -> memref<400x128xf32, #tpu.memory_space<hbm>>
        tpu.wait_dma2 semaphore(%run_scoped3A_57 : memref<!tpu.dma_semaphore, #tpu.memory_space<semaphore_mem>>) src(%dma_wait3A_68 : memref<400x128xf32, #tpu.memory_space<hbm>>) dst(%dma_wait3A_65 : memref<400x128xf32, #tpu.memory_space<vmem_shared>>)
        tpu.yield
      }) : () -> ()
      "tpu.region"() ({
        %run_scoped3A_57 = tpu.sem_alloc : memref<!tpu.dma_semaphore, #tpu.memory_space<semaphore_mem>>
        %dma_start3A_58 = arith.constant 10000 : i32
        %dma_start3A_59 = arith.constant 0 : i32
        %dma_start3A_60 = tpu.memref_slice %arg10[%dma_start3A_58, %dma_start3A_59] : memref<10240x128xf32, #tpu.memory_space<vmem_shared>> -> memref<240x128xf32, #tpu.memory_space<vmem_shared>>
        %dma_start3A_61 = arith.constant 0 : i32
        %dma_start3A_62 = arith.constant 0 : i32
        %dma_start3A_63 = tpu.memref_slice %arg4[%dma_start3A_61, %dma_start3A_62] : memref<640x128xf32, #tpu.memory_space<hbm>> -> memref<240x128xf32, #tpu.memory_space<hbm>>
        tpu.enqueue_dma source(%dma_start3A_63 : memref<240x128xf32, #tpu.memory_space<hbm>>) target(%dma_start3A_60 : memref<240x128xf32, #tpu.memory_space<vmem_shared>>) target_semaphore(%run_scoped3A_57 : memref<!tpu.dma_semaphore, #tpu.memory_space<semaphore_mem>>)
        %dma_wait3A = arith.constant 10000 : i32
        %dma_wait3A_64 = arith.constant 0 : i32
        %dma_wait3A_65 = tpu.memref_slice %arg10[%dma_wait3A, %dma_wait3A_64] : memref<10240x128xf32, #tpu.memory_space<vmem_shared>> -> memref<240x128xf32, #tpu.memory_space<vmem_shared>>
        %dma_wait3A_66 = arith.constant 0 : i32
        %dma_wait3A_67 = arith.constant 0 : i32
        %dma_wait3A_68 = tpu.memref_slice %arg4[%dma_wait3A_66, %dma_wait3A_67] : memref<640x128xf32, #tpu.memory_space<hbm>> -> memref<240x128xf32, #tpu.memory_space<hbm>>
        tpu.wait_dma2 semaphore(%run_scoped3A_57 : memref<!tpu.dma_semaphore, #tpu.memory_space<semaphore_mem>>) src(%dma_wait3A_68 : memref<240x128xf32, #tpu.memory_space<hbm>>) dst(%dma_wait3A_65 : memref<240x128xf32, #tpu.memory_space<vmem_shared>>)
        tpu.yield
      }) : () -> ()
    } else {
    }
    %eq3A_23 = arith.constant 1 : i32
    %eq3A_24 = arith.cmpi eq, %arg0, %eq3A_23 : i32
    %convert_element_type3A_25 = arith.extui %eq3A_24 : i1 to i32
    %cond3A_26 = arith.constant 0 : i32
    %cond3A_27 = arith.cmpi ne, %convert_element_type3A_25, %cond3A_26 : i32
    scf.if %cond3A_27 {
      %mul3A_57 = arith.constant 640 : i32
      %mul3A_58 = arith.muli %arg1, %mul3A_57 : i32
      "tpu.region"() ({
        %run_scoped3A_59 = tpu.sem_alloc : memref<!tpu.dma_semaphore, #tpu.memory_space<semaphore_mem>>
        %dma_start3A_60 = arith.constant 0 : i32
        %dma_start3A_61 = tpu.memref_slice %arg10[%mul3A_58, %dma_start3A_60] : memref<10240x128xf32, #tpu.memory_space<vmem_shared>> -> memref<640x128xf32, #tpu.memory_space<vmem_shared>>
        tpu.enqueue_dma source(%arg4 : memref<640x128xf32, #tpu.memory_space<hbm>>) target(%dma_start3A_61 : memref<640x128xf32, #tpu.memory_space<vmem_shared>>) target_semaphore(%run_scoped3A_59 : memref<!tpu.dma_semaphore, #tpu.memory_space<semaphore_mem>>)
        %dma_wait3A = arith.constant 0 : i32
        %dma_wait3A_62 = tpu.memref_slice %arg10[%mul3A_58, %dma_wait3A] : memref<10240x128xf32, #tpu.memory_space<vmem_shared>> -> memref<640x128xf32, #tpu.memory_space<vmem_shared>>
        tpu.wait_dma2 semaphore(%run_scoped3A_59 : memref<!tpu.dma_semaphore, #tpu.memory_space<semaphore_mem>>) src(%arg4 : memref<640x128xf32, #tpu.memory_space<hbm>>) dst(%dma_wait3A_62 : memref<640x128xf32, #tpu.memory_space<vmem_shared>>)
        tpu.yield
      }) : () -> ()
    } else {
    }
    %barrier3A = arith.constant 0 : index
    tpu.barrier barrier_id(%barrier3A)
    %scan3A = arith.constant 0 : i32
    %scan3A_28 = arith.constant 0 : i32
    %scan3A_29 = arith.constant 20 : i32
    %scan3A_30 = arith.addi %scan3A_28, %scan3A_29 : i32
    %scan3A_31 = arith.constant 1 : i32
    scf.for %scan3A_57 = %scan3A_28 to %scan3A_30 step %scan3A_31  : i32 {
      %mul3A_58 = arith.constant 2 : i32
      %mul3A_59 = arith.muli %mul3A_58, %scan3A_57 : i32
      %add3A_60 = arith.constant 0 : i32
      %add3A_61 = arith.addi %mul3A_59, %add3A_60 : i32
      %dma_wait3A = arith.constant 0 : i32
      %dma_wait3A_62 = tpu.memref_slice %arg6[%add3A_61, %dma_wait3A] : memref<40x128xi32, #tpu.memory_space<vmem>> -> memref<1x128xi32, #tpu.memory_space<vmem>>
      %dma_wait3A_63 = tpu.memref_squeeze %dma_wait3A_62 : memref<1x128xi32, #tpu.memory_space<vmem>> -> memref<128xi32, #tpu.memory_space<vmem>>
      %dma_wait3A_64 = arith.constant 0 : i32
      %dma_wait3A_65 = arith.constant 0 : i32
      %dma_wait3A_66 = tpu.memref_slice %arg2[%dma_wait3A_64, %dma_wait3A_65] : memref<10000x128xf32, #tpu.memory_space<hbm>> -> memref<10000x128xf32, #tpu.memory_space<hbm>>
      tpu.wait_indirect_dma semaphore(%arg11 : memref<!tpu.dma_semaphore, #tpu.memory_space<semaphore_mem>>) src(%dma_wait3A_66 : memref<10000x128xf32, #tpu.memory_space<hbm>>) dst(%arg8 : memref<128x128xf32, #tpu.memory_space<vmem>>)
      %add3A_67 = arith.constant 1 : i32
      %add3A_68 = arith.addi %add3A_61, %add3A_67 : i32
      %lt3A_69 = arith.constant 40 : i32
      %lt3A_70 = arith.cmpi slt, %add3A_68, %lt3A_69 : i32
      %convert_element_type3A_71 = arith.extui %lt3A_70 : i1 to i32
      %cond3A_72 = arith.constant 0 : i32
      %cond3A_73 = arith.cmpi ne, %convert_element_type3A_71, %cond3A_72 : i32
      scf.if %cond3A_73 {
        %add3A_91 = arith.constant 1 : i32
        %add3A_92 = arith.addi %add3A_61, %add3A_91 : i32
        %dma_start3A_93 = arith.constant 0 : i32
        %dma_start3A_94 = tpu.memref_slice %arg6[%add3A_92, %dma_start3A_93] : memref<40x128xi32, #tpu.memory_space<vmem>> -> memref<1x128xi32, #tpu.memory_space<vmem>>
        %dma_start3A_95 = tpu.memref_squeeze %dma_start3A_94 : memref<1x128xi32, #tpu.memory_space<vmem>> -> memref<128xi32, #tpu.memory_space<vmem>>
        %dma_start3A_96 = arith.constant 0 : i32
        %dma_start3A_97 = arith.constant 0 : i32
        %dma_start3A_98 = tpu.memref_slice %arg2[%dma_start3A_96, %dma_start3A_97] : memref<10000x128xf32, #tpu.memory_space<hbm>> -> memref<10000x128xf32, #tpu.memory_space<hbm>>
        tpu.enqueue_indirect_dma source(%dma_start3A_98 : memref<10000x128xf32, #tpu.memory_space<hbm>>) target(%arg9 : memref<128x128xf32, #tpu.memory_space<vmem>>) offsets(%dma_start3A_95 : memref<128xi32, #tpu.memory_space<vmem>>) semaphore(%arg12 : memref<!tpu.dma_semaphore, #tpu.memory_space<semaphore_mem>>)
      } else {
      }
      "tpu.region"() ({
        %run_scoped3A_91 = tpu.sem_alloc : memref<!tpu.dma_semaphore, #tpu.memory_space<semaphore_mem>>
        %dma_start3A_92 = arith.constant 0 : i32
        %dma_start3A_93 = tpu.memref_slice %arg7[%add3A_61, %dma_start3A_92] : memref<40x128xi32, #tpu.memory_space<vmem>> -> memref<1x128xi32, #tpu.memory_space<vmem>>
        %dma_start3A_94 = tpu.memref_squeeze %dma_start3A_93 : memref<1x128xi32, #tpu.memory_space<vmem>> -> memref<128xi32, #tpu.memory_space<vmem>>
        %dma_start3A_95 = arith.constant 0 : i32
        %dma_start3A_96 = arith.constant 0 : i32
        %dma_start3A_97 = tpu.memref_slice %arg10[%dma_start3A_95, %dma_start3A_96] : memref<10240x128xf32, #tpu.memory_space<vmem_shared>> -> memref<10240x128xf32, #tpu.memory_space<vmem_shared>>
        tpu.enqueue_indirect_dma source(%arg8 : memref<128x128xf32, #tpu.memory_space<vmem>>) target(%dma_start3A_97 : memref<10240x128xf32, #tpu.memory_space<vmem_shared>>) offsets(%dma_start3A_94 : memref<128xi32, #tpu.memory_space<vmem>>) semaphore(%run_scoped3A_91 : memref<!tpu.dma_semaphore, #tpu.memory_space<semaphore_mem>>) {add = true}
        %dma_wait3A_98 = arith.constant 0 : i32
        %dma_wait3A_99 = tpu.memref_slice %arg7[%add3A_61, %dma_wait3A_98] : memref<40x128xi32, #tpu.memory_space<vmem>> -> memref<1x128xi32, #tpu.memory_space<vmem>>
        %dma_wait3A_100 = tpu.memref_squeeze %dma_wait3A_99 : memref<1x128xi32, #tpu.memory_space<vmem>> -> memref<128xi32, #tpu.memory_space<vmem>>
        %dma_wait3A_101 = arith.constant 0 : i32
        %dma_wait3A_102 = arith.constant 0 : i32
        %dma_wait3A_103 = tpu.memref_slice %arg10[%dma_wait3A_101, %dma_wait3A_102] : memref<10240x128xf32, #tpu.memory_space<vmem_shared>> -> memref<10240x128xf32, #tpu.memory_space<vmem_shared>>
        tpu.wait_indirect_dma semaphore(%run_scoped3A_91 : memref<!tpu.dma_semaphore, #tpu.memory_space<semaphore_mem>>) src(%arg8 : memref<128x128xf32, #tpu.memory_space<vmem>>) dst(%dma_wait3A_103 : memref<10240x128xf32, #tpu.memory_space<vmem_shared>>)
        tpu.yield
      }) : () -> ()
      %mul3A_74 = arith.constant 2 : i32
      %mul3A_75 = arith.muli %mul3A_74, %scan3A_57 : i32
      %add3A_76 = arith.constant 1 : i32
      %add3A_77 = arith.addi %mul3A_75, %add3A_76 : i32
      %dma_wait3A_78 = arith.constant 0 : i32
      %dma_wait3A_79 = tpu.memref_slice %arg6[%add3A_77, %dma_wait3A_78] : memref<40x128xi32, #tpu.memory_space<vmem>> -> memref<1x128xi32, #tpu.memory_space<vmem>>
      %dma_wait3A_80 = tpu.memref_squeeze %dma_wait3A_79 : memref<1x128xi32, #tpu.memory_space<vmem>> -> memref<128xi32, #tpu.memory_space<vmem>>
      %dma_wait3A_81 = arith.constant 0 : i32
      %dma_wait3A_82 = arith.constant 0 : i32
      %dma_wait3A_83 = tpu.memref_slice %arg2[%dma_wait3A_81, %dma_wait3A_82] : memref<10000x128xf32, #tpu.memory_space<hbm>> -> memref<10000x128xf32, #tpu.memory_space<hbm>>
      tpu.wait_indirect_dma semaphore(%arg12 : memref<!tpu.dma_semaphore, #tpu.memory_space<semaphore_mem>>) src(%dma_wait3A_83 : memref<10000x128xf32, #tpu.memory_space<hbm>>) dst(%arg9 : memref<128x128xf32, #tpu.memory_space<vmem>>)
      %add3A_84 = arith.constant 1 : i32
      %add3A_85 = arith.addi %add3A_77, %add3A_84 : i32
      %lt3A_86 = arith.constant 40 : i32
      %lt3A_87 = arith.cmpi slt, %add3A_85, %lt3A_86 : i32
      %convert_element_type3A_88 = arith.extui %lt3A_87 : i1 to i32
      %cond3A_89 = arith.constant 0 : i32
      %cond3A_90 = arith.cmpi ne, %convert_element_type3A_88, %cond3A_89 : i32
      scf.if %cond3A_90 {
        %add3A_91 = arith.constant 1 : i32
        %add3A_92 = arith.addi %add3A_77, %add3A_91 : i32
        %dma_start3A_93 = arith.constant 0 : i32
        %dma_start3A_94 = tpu.memref_slice %arg6[%add3A_92, %dma_start3A_93] : memref<40x128xi32, #tpu.memory_space<vmem>> -> memref<1x128xi32, #tpu.memory_space<vmem>>
        %dma_start3A_95 = tpu.memref_squeeze %dma_start3A_94 : memref<1x128xi32, #tpu.memory_space<vmem>> -> memref<128xi32, #tpu.memory_space<vmem>>
        %dma_start3A_96 = arith.constant 0 : i32
        %dma_start3A_97 = arith.constant 0 : i32
        %dma_start3A_98 = tpu.memref_slice %arg2[%dma_start3A_96, %dma_start3A_97] : memref<10000x128xf32, #tpu.memory_space<hbm>> -> memref<10000x128xf32, #tpu.memory_space<hbm>>
        tpu.enqueue_indirect_dma source(%dma_start3A_98 : memref<10000x128xf32, #tpu.memory_space<hbm>>) target(%arg8 : memref<128x128xf32, #tpu.memory_space<vmem>>) offsets(%dma_start3A_95 : memref<128xi32, #tpu.memory_space<vmem>>) semaphore(%arg11 : memref<!tpu.dma_semaphore, #tpu.memory_space<semaphore_mem>>)
      } else {
      }
      "tpu.region"() ({
        %run_scoped3A_91 = tpu.sem_alloc : memref<!tpu.dma_semaphore, #tpu.memory_space<semaphore_mem>>
        %dma_start3A_92 = arith.constant 0 : i32
        %dma_start3A_93 = tpu.memref_slice %arg7[%add3A_77, %dma_start3A_92] : memref<40x128xi32, #tpu.memory_space<vmem>> -> memref<1x128xi32, #tpu.memory_space<vmem>>
        %dma_start3A_94 = tpu.memref_squeeze %dma_start3A_93 : memref<1x128xi32, #tpu.memory_space<vmem>> -> memref<128xi32, #tpu.memory_space<vmem>>
        %dma_start3A_95 = arith.constant 0 : i32
        %dma_start3A_96 = arith.constant 0 : i32
        %dma_start3A_97 = tpu.memref_slice %arg10[%dma_start3A_95, %dma_start3A_96] : memref<10240x128xf32, #tpu.memory_space<vmem_shared>> -> memref<10240x128xf32, #tpu.memory_space<vmem_shared>>
        tpu.enqueue_indirect_dma source(%arg9 : memref<128x128xf32, #tpu.memory_space<vmem>>) target(%dma_start3A_97 : memref<10240x128xf32, #tpu.memory_space<vmem_shared>>) offsets(%dma_start3A_94 : memref<128xi32, #tpu.memory_space<vmem>>) semaphore(%run_scoped3A_91 : memref<!tpu.dma_semaphore, #tpu.memory_space<semaphore_mem>>) {add = true}
        %dma_wait3A_98 = arith.constant 0 : i32
        %dma_wait3A_99 = tpu.memref_slice %arg7[%add3A_77, %dma_wait3A_98] : memref<40x128xi32, #tpu.memory_space<vmem>> -> memref<1x128xi32, #tpu.memory_space<vmem>>
        %dma_wait3A_100 = tpu.memref_squeeze %dma_wait3A_99 : memref<1x128xi32, #tpu.memory_space<vmem>> -> memref<128xi32, #tpu.memory_space<vmem>>
        %dma_wait3A_101 = arith.constant 0 : i32
        %dma_wait3A_102 = arith.constant 0 : i32
        %dma_wait3A_103 = tpu.memref_slice %arg10[%dma_wait3A_101, %dma_wait3A_102] : memref<10240x128xf32, #tpu.memory_space<vmem_shared>> -> memref<10240x128xf32, #tpu.memory_space<vmem_shared>>
        tpu.wait_indirect_dma semaphore(%run_scoped3A_91 : memref<!tpu.dma_semaphore, #tpu.memory_space<semaphore_mem>>) src(%arg9 : memref<128x128xf32, #tpu.memory_space<vmem>>) dst(%dma_wait3A_103 : memref<10240x128xf32, #tpu.memory_space<vmem_shared>>)
        tpu.yield
      }) : () -> ()
    }
    %scan3A_32 = arith.constant 20 : i32
    %mul3A_33 = arith.constant 80 : i32
    %mul3A_34 = arith.muli %add3A, %mul3A_33 : i32
    %add3A_35 = arith.constant 40 : i32
    %add3A_36 = arith.addi %mul3A_34, %add3A_35 : i32
    %run_scoped3A_37 = arith.constant 0 : i32
    "tpu.region"() ({
      %run_scoped3A_57 = tpu.sem_alloc : memref<!tpu.dma_semaphore, #tpu.memory_space<semaphore_mem>>
      %dma_start3A_58 = arith.constant 0 : i32
      %dma_start3A_59 = tpu.memref_slice %arg3[%run_scoped3A_37, %add3A_36, %dma_start3A_58] : memref<2x2560x128xi32, #tpu.memory_space<hbm>> -> memref<1x40x128xi32, #tpu.memory_space<hbm>>
      %dma_start3A_60 = tpu.memref_squeeze %dma_start3A_59 : memref<1x40x128xi32, #tpu.memory_space<hbm>> -> memref<40x128xi32, #tpu.memory_space<hbm>>
      %dma_start3A_61 = arith.constant 0 : i32
      %dma_start3A_62 = tpu.memref_slice %arg3[%run_scoped3A_37, %add3A_36, %dma_start3A_61] : memref<2x2560x128xi32, #tpu.memory_space<hbm>> -> memref<1x40x128xi32, #tpu.memory_space<hbm>>
      %dma_start3A_63 = tpu.memref_squeeze %dma_start3A_62 : memref<1x40x128xi32, #tpu.memory_space<hbm>> -> memref<40x128xi32, #tpu.memory_space<hbm>>
      tpu.enqueue_dma source(%dma_start3A_63 : memref<40x128xi32, #tpu.memory_space<hbm>>) target(%arg6 : memref<40x128xi32, #tpu.memory_space<vmem>>) target_semaphore(%run_scoped3A_57 : memref<!tpu.dma_semaphore, #tpu.memory_space<semaphore_mem>>)
      %dma_wait3A = arith.constant 0 : i32
      %dma_wait3A_64 = tpu.memref_slice %arg3[%run_scoped3A_37, %add3A_36, %dma_wait3A] : memref<2x2560x128xi32, #tpu.memory_space<hbm>> -> memref<1x40x128xi32, #tpu.memory_space<hbm>>
      %dma_wait3A_65 = tpu.memref_squeeze %dma_wait3A_64 : memref<1x40x128xi32, #tpu.memory_space<hbm>> -> memref<40x128xi32, #tpu.memory_space<hbm>>
      %dma_wait3A_66 = arith.constant 0 : i32
      %dma_wait3A_67 = tpu.memref_slice %arg3[%run_scoped3A_37, %add3A_36, %dma_wait3A_66] : memref<2x2560x128xi32, #tpu.memory_space<hbm>> -> memref<1x40x128xi32, #tpu.memory_space<hbm>>
      %dma_wait3A_68 = tpu.memref_squeeze %dma_wait3A_67 : memref<1x40x128xi32, #tpu.memory_space<hbm>> -> memref<40x128xi32, #tpu.memory_space<hbm>>
      tpu.wait_dma2 semaphore(%run_scoped3A_57 : memref<!tpu.dma_semaphore, #tpu.memory_space<semaphore_mem>>) src(%dma_wait3A_68 : memref<40x128xi32, #tpu.memory_space<hbm>>) dst(%arg6 : memref<40x128xi32, #tpu.memory_space<vmem>>)
      tpu.yield
    }) : () -> ()
    %run_scoped3A_38 = arith.constant 1 : i32
    "tpu.region"() ({
      %run_scoped3A_57 = tpu.sem_alloc : memref<!tpu.dma_semaphore, #tpu.memory_space<semaphore_mem>>
      %dma_start3A_58 = arith.constant 0 : i32
      %dma_start3A_59 = tpu.memref_slice %arg3[%run_scoped3A_38, %add3A_36, %dma_start3A_58] : memref<2x2560x128xi32, #tpu.memory_space<hbm>> -> memref<1x40x128xi32, #tpu.memory_space<hbm>>
      %dma_start3A_60 = tpu.memref_squeeze %dma_start3A_59 : memref<1x40x128xi32, #tpu.memory_space<hbm>> -> memref<40x128xi32, #tpu.memory_space<hbm>>
      %dma_start3A_61 = arith.constant 0 : i32
      %dma_start3A_62 = tpu.memref_slice %arg3[%run_scoped3A_38, %add3A_36, %dma_start3A_61] : memref<2x2560x128xi32, #tpu.memory_space<hbm>> -> memref<1x40x128xi32, #tpu.memory_space<hbm>>
      %dma_start3A_63 = tpu.memref_squeeze %dma_start3A_62 : memref<1x40x128xi32, #tpu.memory_space<hbm>> -> memref<40x128xi32, #tpu.memory_space<hbm>>
      tpu.enqueue_dma source(%dma_start3A_63 : memref<40x128xi32, #tpu.memory_space<hbm>>) target(%arg7 : memref<40x128xi32, #tpu.memory_space<vmem>>) target_semaphore(%run_scoped3A_57 : memref<!tpu.dma_semaphore, #tpu.memory_space<semaphore_mem>>)
      %dma_wait3A = arith.constant 0 : i32
      %dma_wait3A_64 = tpu.memref_slice %arg3[%run_scoped3A_38, %add3A_36, %dma_wait3A] : memref<2x2560x128xi32, #tpu.memory_space<hbm>> -> memref<1x40x128xi32, #tpu.memory_space<hbm>>
      %dma_wait3A_65 = tpu.memref_squeeze %dma_wait3A_64 : memref<1x40x128xi32, #tpu.memory_space<hbm>> -> memref<40x128xi32, #tpu.memory_space<hbm>>
      %dma_wait3A_66 = arith.constant 0 : i32
      %dma_wait3A_67 = tpu.memref_slice %arg3[%run_scoped3A_38, %add3A_36, %dma_wait3A_66] : memref<2x2560x128xi32, #tpu.memory_space<hbm>> -> memref<1x40x128xi32, #tpu.memory_space<hbm>>
      %dma_wait3A_68 = tpu.memref_squeeze %dma_wait3A_67 : memref<1x40x128xi32, #tpu.memory_space<hbm>> -> memref<40x128xi32, #tpu.memory_space<hbm>>
      tpu.wait_dma2 semaphore(%run_scoped3A_57 : memref<!tpu.dma_semaphore, #tpu.memory_space<semaphore_mem>>) src(%dma_wait3A_68 : memref<40x128xi32, #tpu.memory_space<hbm>>) dst(%arg7 : memref<40x128xi32, #tpu.memory_space<vmem>>)
      tpu.yield
    }) : () -> ()
    %dma_start3A_39 = arith.constant 0 : i32
    %dma_start3A_40 = arith.constant 0 : i32
    %dma_start3A_41 = tpu.memref_slice %arg6[%dma_start3A_39, %dma_start3A_40] : memref<40x128xi32, #tpu.memory_space<vmem>> -> memref<1x128xi32, #tpu.memory_space<vmem>>
    %dma_start3A_42 = tpu.memref_squeeze %dma_start3A_41 : memref<1x128xi32, #tpu.memory_space<vmem>> -> memref<128xi32, #tpu.memory_space<vmem>>
    %dma_start3A_43 = arith.constant 0 : i32
    %dma_start3A_44 = arith.constant 0 : i32
    %dma_start3A_45 = tpu.memref_slice %arg2[%dma_start3A_43, %dma_start3A_44] : memref<10000x128xf32, #tpu.memory_space<hbm>> -> memref<10000x128xf32, #tpu.memory_space<hbm>>
    tpu.enqueue_indirect_dma source(%dma_start3A_45 : memref<10000x128xf32, #tpu.memory_space<hbm>>) target(%arg8 : memref<128x128xf32, #tpu.memory_space<vmem>>) offsets(%dma_start3A_42 : memref<128xi32, #tpu.memory_space<vmem>>) semaphore(%arg11 : memref<!tpu.dma_semaphore, #tpu.memory_space<semaphore_mem>>)
    %scan3A_46 = arith.constant 0 : i32
    %scan3A_47 = arith.constant 0 : i32
    %scan3A_48 = arith.constant 20 : i32
    %scan3A_49 = arith.addi %scan3A_47, %scan3A_48 : i32
    %scan3A_50 = arith.constant 1 : i32
    scf.for %scan3A_57 = %scan3A_47 to %scan3A_49 step %scan3A_50  : i32 {
      %mul3A_58 = arith.constant 2 : i32
      %mul3A_59 = arith.muli %mul3A_58, %scan3A_57 : i32
      %add3A_60 = arith.constant 0 : i32
      %add3A_61 = arith.addi %mul3A_59, %add3A_60 : i32
      %dma_wait3A = arith.constant 0 : i32
      %dma_wait3A_62 = tpu.memref_slice %arg6[%add3A_61, %dma_wait3A] : memref<40x128xi32, #tpu.memory_space<vmem>> -> memref<1x128xi32, #tpu.memory_space<vmem>>
      %dma_wait3A_63 = tpu.memref_squeeze %dma_wait3A_62 : memref<1x128xi32, #tpu.memory_space<vmem>> -> memref<128xi32, #tpu.memory_space<vmem>>
      %dma_wait3A_64 = arith.constant 0 : i32
      %dma_wait3A_65 = arith.constant 0 : i32
      %dma_wait3A_66 = tpu.memref_slice %arg2[%dma_wait3A_64, %dma_wait3A_65] : memref<10000x128xf32, #tpu.memory_space<hbm>> -> memref<10000x128xf32, #tpu.memory_space<hbm>>
      tpu.wait_indirect_dma semaphore(%arg11 : memref<!tpu.dma_semaphore, #tpu.memory_space<semaphore_mem>>) src(%dma_wait3A_66 : memref<10000x128xf32, #tpu.memory_space<hbm>>) dst(%arg8 : memref<128x128xf32, #tpu.memory_space<vmem>>)
      %add3A_67 = arith.constant 1 : i32
      %add3A_68 = arith.addi %add3A_61, %add3A_67 : i32
      %lt3A_69 = arith.constant 40 : i32
      %lt3A_70 = arith.cmpi slt, %add3A_68, %lt3A_69 : i32
      %convert_element_type3A_71 = arith.extui %lt3A_70 : i1 to i32
      %cond3A_72 = arith.constant 0 : i32
      %cond3A_73 = arith.cmpi ne, %convert_element_type3A_71, %cond3A_72 : i32
      scf.if %cond3A_73 {
        %add3A_91 = arith.constant 1 : i32
        %add3A_92 = arith.addi %add3A_61, %add3A_91 : i32
        %dma_start3A_93 = arith.constant 0 : i32
        %dma_start3A_94 = tpu.memref_slice %arg6[%add3A_92, %dma_start3A_93] : memref<40x128xi32, #tpu.memory_space<vmem>> -> memref<1x128xi32, #tpu.memory_space<vmem>>
        %dma_start3A_95 = tpu.memref_squeeze %dma_start3A_94 : memref<1x128xi32, #tpu.memory_space<vmem>> -> memref<128xi32, #tpu.memory_space<vmem>>
        %dma_start3A_96 = arith.constant 0 : i32
        %dma_start3A_97 = arith.constant 0 : i32
        %dma_start3A_98 = tpu.memref_slice %arg2[%dma_start3A_96, %dma_start3A_97] : memref<10000x128xf32, #tpu.memory_space<hbm>> -> memref<10000x128xf32, #tpu.memory_space<hbm>>
        tpu.enqueue_indirect_dma source(%dma_start3A_98 : memref<10000x128xf32, #tpu.memory_space<hbm>>) target(%arg9 : memref<128x128xf32, #tpu.memory_space<vmem>>) offsets(%dma_start3A_95 : memref<128xi32, #tpu.memory_space<vmem>>) semaphore(%arg12 : memref<!tpu.dma_semaphore, #tpu.memory_space<semaphore_mem>>)
      } else {
      }
      "tpu.region"() ({
        %run_scoped3A_91 = tpu.sem_alloc : memref<!tpu.dma_semaphore, #tpu.memory_space<semaphore_mem>>
        %dma_start3A_92 = arith.constant 0 : i32
        %dma_start3A_93 = tpu.memref_slice %arg7[%add3A_61, %dma_start3A_92] : memref<40x128xi32, #tpu.memory_space<vmem>> -> memref<1x128xi32, #tpu.memory_space<vmem>>
        %dma_start3A_94 = tpu.memref_squeeze %dma_start3A_93 : memref<1x128xi32, #tpu.memory_space<vmem>> -> memref<128xi32, #tpu.memory_space<vmem>>
        %dma_start3A_95 = arith.constant 0 : i32
        %dma_start3A_96 = arith.constant 0 : i32
        %dma_start3A_97 = tpu.memref_slice %arg10[%dma_start3A_95, %dma_start3A_96] : memref<10240x128xf32, #tpu.memory_space<vmem_shared>> -> memref<10240x128xf32, #tpu.memory_space<vmem_shared>>
        tpu.enqueue_indirect_dma source(%arg8 : memref<128x128xf32, #tpu.memory_space<vmem>>) target(%dma_start3A_97 : memref<10240x128xf32, #tpu.memory_space<vmem_shared>>) offsets(%dma_start3A_94 : memref<128xi32, #tpu.memory_space<vmem>>) semaphore(%run_scoped3A_91 : memref<!tpu.dma_semaphore, #tpu.memory_space<semaphore_mem>>) {add = true}
        %dma_wait3A_98 = arith.constant 0 : i32
        %dma_wait3A_99 = tpu.memref_slice %arg7[%add3A_61, %dma_wait3A_98] : memref<40x128xi32, #tpu.memory_space<vmem>> -> memref<1x128xi32, #tpu.memory_space<vmem>>
        %dma_wait3A_100 = tpu.memref_squeeze %dma_wait3A_99 : memref<1x128xi32, #tpu.memory_space<vmem>> -> memref<128xi32, #tpu.memory_space<vmem>>
        %dma_wait3A_101 = arith.constant 0 : i32
        %dma_wait3A_102 = arith.constant 0 : i32
        %dma_wait3A_103 = tpu.memref_slice %arg10[%dma_wait3A_101, %dma_wait3A_102] : memref<10240x128xf32, #tpu.memory_space<vmem_shared>> -> memref<10240x128xf32, #tpu.memory_space<vmem_shared>>
        tpu.wait_indirect_dma semaphore(%run_scoped3A_91 : memref<!tpu.dma_semaphore, #tpu.memory_space<semaphore_mem>>) src(%arg8 : memref<128x128xf32, #tpu.memory_space<vmem>>) dst(%dma_wait3A_103 : memref<10240x128xf32, #tpu.memory_space<vmem_shared>>)
        tpu.yield
      }) : () -> ()
      %mul3A_74 = arith.constant 2 : i32
      %mul3A_75 = arith.muli %mul3A_74, %scan3A_57 : i32
      %add3A_76 = arith.constant 1 : i32
      %add3A_77 = arith.addi %mul3A_75, %add3A_76 : i32
      %dma_wait3A_78 = arith.constant 0 : i32
      %dma_wait3A_79 = tpu.memref_slice %arg6[%add3A_77, %dma_wait3A_78] : memref<40x128xi32, #tpu.memory_space<vmem>> -> memref<1x128xi32, #tpu.memory_space<vmem>>
      %dma_wait3A_80 = tpu.memref_squeeze %dma_wait3A_79 : memref<1x128xi32, #tpu.memory_space<vmem>> -> memref<128xi32, #tpu.memory_space<vmem>>
      %dma_wait3A_81 = arith.constant 0 : i32
      %dma_wait3A_82 = arith.constant 0 : i32
      %dma_wait3A_83 = tpu.memref_slice %arg2[%dma_wait3A_81, %dma_wait3A_82] : memref<10000x128xf32, #tpu.memory_space<hbm>> -> memref<10000x128xf32, #tpu.memory_space<hbm>>
      tpu.wait_indirect_dma semaphore(%arg12 : memref<!tpu.dma_semaphore, #tpu.memory_space<semaphore_mem>>) src(%dma_wait3A_83 : memref<10000x128xf32, #tpu.memory_space<hbm>>) dst(%arg9 : memref<128x128xf32, #tpu.memory_space<vmem>>)
      %add3A_84 = arith.constant 1 : i32
      %add3A_85 = arith.addi %add3A_77, %add3A_84 : i32
      %lt3A_86 = arith.constant 40 : i32
      %lt3A_87 = arith.cmpi slt, %add3A_85, %lt3A_86 : i32
      %convert_element_type3A_88 = arith.extui %lt3A_87 : i1 to i32
      %cond3A_89 = arith.constant 0 : i32
      %cond3A_90 = arith.cmpi ne, %convert_element_type3A_88, %cond3A_89 : i32
      scf.if %cond3A_90 {
        %add3A_91 = arith.constant 1 : i32
        %add3A_92 = arith.addi %add3A_77, %add3A_91 : i32
        %dma_start3A_93 = arith.constant 0 : i32
        %dma_start3A_94 = tpu.memref_slice %arg6[%add3A_92, %dma_start3A_93] : memref<40x128xi32, #tpu.memory_space<vmem>> -> memref<1x128xi32, #tpu.memory_space<vmem>>
        %dma_start3A_95 = tpu.memref_squeeze %dma_start3A_94 : memref<1x128xi32, #tpu.memory_space<vmem>> -> memref<128xi32, #tpu.memory_space<vmem>>
        %dma_start3A_96 = arith.constant 0 : i32
        %dma_start3A_97 = arith.constant 0 : i32
        %dma_start3A_98 = tpu.memref_slice %arg2[%dma_start3A_96, %dma_start3A_97] : memref<10000x128xf32, #tpu.memory_space<hbm>> -> memref<10000x128xf32, #tpu.memory_space<hbm>>
        tpu.enqueue_indirect_dma source(%dma_start3A_98 : memref<10000x128xf32, #tpu.memory_space<hbm>>) target(%arg8 : memref<128x128xf32, #tpu.memory_space<vmem>>) offsets(%dma_start3A_95 : memref<128xi32, #tpu.memory_space<vmem>>) semaphore(%arg11 : memref<!tpu.dma_semaphore, #tpu.memory_space<semaphore_mem>>)
      } else {
      }
      "tpu.region"() ({
        %run_scoped3A_91 = tpu.sem_alloc : memref<!tpu.dma_semaphore, #tpu.memory_space<semaphore_mem>>
        %dma_start3A_92 = arith.constant 0 : i32
        %dma_start3A_93 = tpu.memref_slice %arg7[%add3A_77, %dma_start3A_92] : memref<40x128xi32, #tpu.memory_space<vmem>> -> memref<1x128xi32, #tpu.memory_space<vmem>>
        %dma_start3A_94 = tpu.memref_squeeze %dma_start3A_93 : memref<1x128xi32, #tpu.memory_space<vmem>> -> memref<128xi32, #tpu.memory_space<vmem>>
        %dma_start3A_95 = arith.constant 0 : i32
        %dma_start3A_96 = arith.constant 0 : i32
        %dma_start3A_97 = tpu.memref_slice %arg10[%dma_start3A_95, %dma_start3A_96] : memref<10240x128xf32, #tpu.memory_space<vmem_shared>> -> memref<10240x128xf32, #tpu.memory_space<vmem_shared>>
        tpu.enqueue_indirect_dma source(%arg9 : memref<128x128xf32, #tpu.memory_space<vmem>>) target(%dma_start3A_97 : memref<10240x128xf32, #tpu.memory_space<vmem_shared>>) offsets(%dma_start3A_94 : memref<128xi32, #tpu.memory_space<vmem>>) semaphore(%run_scoped3A_91 : memref<!tpu.dma_semaphore, #tpu.memory_space<semaphore_mem>>) {add = true}
        %dma_wait3A_98 = arith.constant 0 : i32
        %dma_wait3A_99 = tpu.memref_slice %arg7[%add3A_77, %dma_wait3A_98] : memref<40x128xi32, #tpu.memory_space<vmem>> -> memref<1x128xi32, #tpu.memory_space<vmem>>
        %dma_wait3A_100 = tpu.memref_squeeze %dma_wait3A_99 : memref<1x128xi32, #tpu.memory_space<vmem>> -> memref<128xi32, #tpu.memory_space<vmem>>
        %dma_wait3A_101 = arith.constant 0 : i32
        %dma_wait3A_102 = arith.constant 0 : i32
        %dma_wait3A_103 = tpu.memref_slice %arg10[%dma_wait3A_101, %dma_wait3A_102] : memref<10240x128xf32, #tpu.memory_space<vmem_shared>> -> memref<10240x128xf32, #tpu.memory_space<vmem_shared>>
        tpu.wait_indirect_dma semaphore(%run_scoped3A_91 : memref<!tpu.dma_semaphore, #tpu.memory_space<semaphore_mem>>) src(%arg9 : memref<128x128xf32, #tpu.memory_space<vmem>>) dst(%dma_wait3A_103 : memref<10240x128xf32, #tpu.memory_space<vmem_shared>>)
        tpu.yield
      }) : () -> ()
    }
    %scan3A_51 = arith.constant 20 : i32
    %barrier3A_52 = arith.constant 0 : index
    tpu.barrier barrier_id(%barrier3A_52)
    %mul3A_53 = arith.constant 640 : i32
    %mul3A_54 = arith.muli %arg1, %mul3A_53 : i32
    %mul3A_55 = arith.constant 640 : i32
    %mul3A_56 = arith.muli %arg1, %mul3A_55 : i32
    "tpu.region"() ({
      %run_scoped3A_57 = tpu.sem_alloc : memref<!tpu.dma_semaphore, #tpu.memory_space<semaphore_mem>>
      %dma_start3A_58 = arith.constant 0 : i32
      %dma_start3A_59 = tpu.memref_slice %arg5[%arg0, %mul3A_56, %dma_start3A_58] : memref<2x10240x128xf32, #tpu.memory_space<hbm>> -> memref<1x640x128xf32, #tpu.memory_space<hbm>>
      %dma_start3A_60 = tpu.memref_squeeze %dma_start3A_59 : memref<1x640x128xf32, #tpu.memory_space<hbm>> -> memref<640x128xf32, #tpu.memory_space<hbm>>
      %dma_start3A_61 = arith.constant 0 : i32
      %dma_start3A_62 = tpu.memref_slice %arg10[%mul3A_54, %dma_start3A_61] : memref<10240x128xf32, #tpu.memory_space<vmem_shared>> -> memref<640x128xf32, #tpu.memory_space<vmem_shared>>
      tpu.enqueue_dma source(%dma_start3A_62 : memref<640x128xf32, #tpu.memory_space<vmem_shared>>) target(%dma_start3A_60 : memref<640x128xf32, #tpu.memory_space<hbm>>) target_semaphore(%run_scoped3A_57 : memref<!tpu.dma_semaphore, #tpu.memory_space<semaphore_mem>>)
      %dma_wait3A = arith.constant 0 : i32
      %dma_wait3A_63 = tpu.memref_slice %arg5[%arg0, %mul3A_56, %dma_wait3A] : memref<2x10240x128xf32, #tpu.memory_space<hbm>> -> memref<1x640x128xf32, #tpu.memory_space<hbm>>
      %dma_wait3A_64 = tpu.memref_squeeze %dma_wait3A_63 : memref<1x640x128xf32, #tpu.memory_space<hbm>> -> memref<640x128xf32, #tpu.memory_space<hbm>>
      %dma_wait3A_65 = arith.constant 0 : i32
      %dma_wait3A_66 = tpu.memref_slice %arg10[%mul3A_54, %dma_wait3A_65] : memref<10240x128xf32, #tpu.memory_space<vmem_shared>> -> memref<640x128xf32, #tpu.memory_space<vmem_shared>>
      tpu.wait_dma2 semaphore(%run_scoped3A_57 : memref<!tpu.dma_semaphore, #tpu.memory_space<semaphore_mem>>) src(%dma_wait3A_66 : memref<640x128xf32, #tpu.memory_space<vmem_shared>>) dst(%dma_wait3A_64 : memref<640x128xf32, #tpu.memory_space<hbm>>)
      tpu.yield
    }) : () -> ()
    return
  }
}

#map = affine_map<(d0, d1) -> (0, 0, 0)>
#map1 = affine_map<(d0, d1) -> (0)>
module attributes {stable_mosaic.version = 14 : i64} {
  func.func @_sc_deg_body(%arg0: i32, %arg1: i32, %arg2: memref<2x2560x128xi32, #tpu.memory_space<hbm>>, %arg3: memref<10240xf32, #tpu.memory_space<hbm>>, %arg4: memref<128xf32, #tpu.memory_space<hbm>>, %arg5: memref<20480xf32, #tpu.memory_space<hbm>>, %arg6: memref<80x128xi32, #tpu.memory_space<vmem>>, %arg7: memref<128xf32, #tpu.memory_space<vmem>>, %arg8: memref<10240xf32, #tpu.memory_space<vmem_shared>>, %arg9: memref<!tpu.dma_semaphore, #tpu.memory_space<semaphore_mem>>) attributes {dimension_semantics = [#tpu.dimension_semantics<core_parallel>, #tpu.dimension_semantics<subcore_parallel>], iteration_bounds = array<i64: 2, 16>, scalar_prefetch = 0 : i64, scratch_operands = 4 : i64, tpu.core_type = #tpu.core_type<sc_vector_subcore>, window_params = [{transform_indices = #map}, {transform_indices = #map1}, {transform_indices = #map1}, {transform_indices = #map1}]} {
    %mul3A = arith.constant 16 : i32
    %mul3A_0 = arith.muli %arg0, %mul3A : i32
    %add3A = arith.addi %mul3A_0, %arg1 : i32
    %mul3A_1 = arith.constant 80 : i32
    %mul3A_2 = arith.muli %add3A, %mul3A_1 : i32
    %run_scoped3A = arith.constant 1 : i32
    "tpu.region"() ({
      %run_scoped3A_61 = tpu.sem_alloc : memref<!tpu.dma_semaphore, #tpu.memory_space<semaphore_mem>>
      %dma_start3A = arith.constant 0 : i32
      %dma_start3A_62 = tpu.memref_slice %arg2[%run_scoped3A, %mul3A_2, %dma_start3A] : memref<2x2560x128xi32, #tpu.memory_space<hbm>> -> memref<1x80x128xi32, #tpu.memory_space<hbm>>
      %dma_start3A_63 = tpu.memref_squeeze %dma_start3A_62 : memref<1x80x128xi32, #tpu.memory_space<hbm>> -> memref<80x128xi32, #tpu.memory_space<hbm>>
      %dma_start3A_64 = arith.constant 0 : i32
      %dma_start3A_65 = tpu.memref_slice %arg2[%run_scoped3A, %mul3A_2, %dma_start3A_64] : memref<2x2560x128xi32, #tpu.memory_space<hbm>> -> memref<1x80x128xi32, #tpu.memory_space<hbm>>
      %dma_start3A_66 = tpu.memref_squeeze %dma_start3A_65 : memref<1x80x128xi32, #tpu.memory_space<hbm>> -> memref<80x128xi32, #tpu.memory_space<hbm>>
      tpu.enqueue_dma source(%dma_start3A_66 : memref<80x128xi32, #tpu.memory_space<hbm>>) target(%arg6 : memref<80x128xi32, #tpu.memory_space<vmem>>) target_semaphore(%run_scoped3A_61 : memref<!tpu.dma_semaphore, #tpu.memory_space<semaphore_mem>>)
      %dma_wait3A_67 = arith.constant 0 : i32
      %dma_wait3A_68 = tpu.memref_slice %arg2[%run_scoped3A, %mul3A_2, %dma_wait3A_67] : memref<2x2560x128xi32, #tpu.memory_space<hbm>> -> memref<1x80x128xi32, #tpu.memory_space<hbm>>
      %dma_wait3A_69 = tpu.memref_squeeze %dma_wait3A_68 : memref<1x80x128xi32, #tpu.memory_space<hbm>> -> memref<80x128xi32, #tpu.memory_space<hbm>>
      %dma_wait3A_70 = arith.constant 0 : i32
      %dma_wait3A_71 = tpu.memref_slice %arg2[%run_scoped3A, %mul3A_2, %dma_wait3A_70] : memref<2x2560x128xi32, #tpu.memory_space<hbm>> -> memref<1x80x128xi32, #tpu.memory_space<hbm>>
      %dma_wait3A_72 = tpu.memref_squeeze %dma_wait3A_71 : memref<1x80x128xi32, #tpu.memory_space<hbm>> -> memref<80x128xi32, #tpu.memory_space<hbm>>
      tpu.wait_dma2 semaphore(%run_scoped3A_61 : memref<!tpu.dma_semaphore, #tpu.memory_space<semaphore_mem>>) src(%dma_wait3A_72 : memref<80x128xi32, #tpu.memory_space<hbm>>) dst(%arg6 : memref<80x128xi32, #tpu.memory_space<vmem>>)
      tpu.yield
    }) : () -> ()
    "tpu.region"() ({
      %run_scoped3A_61 = tpu.sem_alloc : memref<!tpu.dma_semaphore, #tpu.memory_space<semaphore_mem>>
      tpu.enqueue_dma source(%arg4 : memref<128xf32, #tpu.memory_space<hbm>>) target(%arg7 : memref<128xf32, #tpu.memory_space<vmem>>) target_semaphore(%run_scoped3A_61 : memref<!tpu.dma_semaphore, #tpu.memory_space<semaphore_mem>>)
      tpu.wait_dma2 semaphore(%run_scoped3A_61 : memref<!tpu.dma_semaphore, #tpu.memory_space<semaphore_mem>>) src(%arg4 : memref<128xf32, #tpu.memory_space<hbm>>) dst(%arg7 : memref<128xf32, #tpu.memory_space<vmem>>)
      tpu.yield
    }) : () -> ()
    %mul3A_3 = arith.constant 640 : i32
    %mul3A_4 = arith.muli %arg1, %mul3A_3 : i32
    %mul3A_5 = arith.constant 640 : i32
    %mul3A_6 = arith.muli %arg1, %mul3A_5 : i32
    "tpu.region"() ({
      %run_scoped3A_61 = tpu.sem_alloc : memref<!tpu.dma_semaphore, #tpu.memory_space<semaphore_mem>>
      %dma_start3A = tpu.memref_slice %arg8[%mul3A_6] : memref<10240xf32, #tpu.memory_space<vmem_shared>> -> memref<640xf32, #tpu.memory_space<vmem_shared>>
      %dma_start3A_62 = tpu.memref_slice %arg3[%mul3A_4] : memref<10240xf32, #tpu.memory_space<hbm>> -> memref<640xf32, #tpu.memory_space<hbm>>
      tpu.enqueue_dma source(%dma_start3A_62 : memref<640xf32, #tpu.memory_space<hbm>>) target(%dma_start3A : memref<640xf32, #tpu.memory_space<vmem_shared>>) target_semaphore(%run_scoped3A_61 : memref<!tpu.dma_semaphore, #tpu.memory_space<semaphore_mem>>)
      %dma_wait3A_63 = tpu.memref_slice %arg8[%mul3A_6] : memref<10240xf32, #tpu.memory_space<vmem_shared>> -> memref<640xf32, #tpu.memory_space<vmem_shared>>
      %dma_wait3A_64 = tpu.memref_slice %arg3[%mul3A_4] : memref<10240xf32, #tpu.memory_space<hbm>> -> memref<640xf32, #tpu.memory_space<hbm>>
      tpu.wait_dma2 semaphore(%run_scoped3A_61 : memref<!tpu.dma_semaphore, #tpu.memory_space<semaphore_mem>>) src(%dma_wait3A_64 : memref<640xf32, #tpu.memory_space<hbm>>) dst(%dma_wait3A_63 : memref<640xf32, #tpu.memory_space<vmem_shared>>)
      tpu.yield
    }) : () -> ()
    %barrier3A = arith.constant 0 : index
    tpu.barrier barrier_id(%barrier3A)
    %scan3A = arith.constant 0 : i32
    %scan3A_7 = arith.constant 0 : i32
    %scan3A_8 = arith.constant 80 : i32
    %scan3A_9 = arith.addi %scan3A_7, %scan3A_8 : i32
    %scan3A_10 = arith.constant 1 : i32
    scf.for %scan3A_61 = %scan3A_7 to %scan3A_9 step %scan3A_10  : i32 {
      %dma_start3A = arith.constant 0 : i32
      %dma_start3A_62 = tpu.memref_slice %arg6[%scan3A_61, %dma_start3A] : memref<80x128xi32, #tpu.memory_space<vmem>> -> memref<1x128xi32, #tpu.memory_space<vmem>>
      %dma_start3A_63 = tpu.memref_squeeze %dma_start3A_62 : memref<1x128xi32, #tpu.memory_space<vmem>> -> memref<128xi32, #tpu.memory_space<vmem>>
      %dma_start3A_64 = arith.constant 0 : i32
      %dma_start3A_65 = tpu.memref_slice %arg8[%dma_start3A_64] : memref<10240xf32, #tpu.memory_space<vmem_shared>> -> memref<10240xf32, #tpu.memory_space<vmem_shared>>
      tpu.enqueue_indirect_dma source(%arg7 : memref<128xf32, #tpu.memory_space<vmem>>) target(%dma_start3A_65 : memref<10240xf32, #tpu.memory_space<vmem_shared>>) offsets(%dma_start3A_63 : memref<128xi32, #tpu.memory_space<vmem>>) semaphore(%arg9 : memref<!tpu.dma_semaphore, #tpu.memory_space<semaphore_mem>>) {add = true}
      %ge3A = arith.constant 7 : i32
      %ge3A_66 = arith.cmpi sge, %scan3A_61, %ge3A : i32
      %convert_element_type3A = arith.extui %ge3A_66 : i1 to i32
      %cond3A = arith.constant 0 : i32
      %cond3A_67 = arith.cmpi ne, %convert_element_type3A, %cond3A : i32
      scf.if %cond3A_67 {
        %sub3A = arith.constant 7 : i32
        %sub3A_68 = arith.subi %scan3A_61, %sub3A : i32
        %dma_wait3A_69 = arith.constant 0 : i32
        %dma_wait3A_70 = tpu.memref_slice %arg6[%sub3A_68, %dma_wait3A_69] : memref<80x128xi32, #tpu.memory_space<vmem>> -> memref<1x128xi32, #tpu.memory_space<vmem>>
        %dma_wait3A_71 = tpu.memref_squeeze %dma_wait3A_70 : memref<1x128xi32, #tpu.memory_space<vmem>> -> memref<128xi32, #tpu.memory_space<vmem>>
        %dma_wait3A_72 = arith.constant 0 : i32
        %dma_wait3A_73 = tpu.memref_slice %arg8[%dma_wait3A_72] : memref<10240xf32, #tpu.memory_space<vmem_shared>> -> memref<10240xf32, #tpu.memory_space<vmem_shared>>
        tpu.wait_indirect_dma semaphore(%arg9 : memref<!tpu.dma_semaphore, #tpu.memory_space<semaphore_mem>>) src(%arg7 : memref<128xf32, #tpu.memory_space<vmem>>) dst(%dma_wait3A_73 : memref<10240xf32, #tpu.memory_space<vmem_shared>>)
      } else {
      }
    }
    %scan3A_11 = arith.constant 80 : i32
    %dma_wait3A = arith.constant 73 : i32
    %dma_wait3A_12 = arith.constant 0 : i32
    %dma_wait3A_13 = tpu.memref_slice %arg6[%dma_wait3A, %dma_wait3A_12] : memref<80x128xi32, #tpu.memory_space<vmem>> -> memref<1x128xi32, #tpu.memory_space<vmem>>
    %dma_wait3A_14 = tpu.memref_squeeze %dma_wait3A_13 : memref<1x128xi32, #tpu.memory_space<vmem>> -> memref<128xi32, #tpu.memory_space<vmem>>
    %dma_wait3A_15 = arith.constant 0 : i32
    %dma_wait3A_16 = tpu.memref_slice %arg8[%dma_wait3A_15] : memref<10240xf32, #tpu.memory_space<vmem_shared>> -> memref<10240xf32, #tpu.memory_space<vmem_shared>>
    tpu.wait_indirect_dma semaphore(%arg9 : memref<!tpu.dma_semaphore, #tpu.memory_space<semaphore_mem>>) src(%arg7 : memref<128xf32, #tpu.memory_space<vmem>>) dst(%dma_wait3A_16 : memref<10240xf32, #tpu.memory_space<vmem_shared>>)
    %dma_wait3A_17 = arith.constant 74 : i32
    %dma_wait3A_18 = arith.constant 0 : i32
    %dma_wait3A_19 = tpu.memref_slice %arg6[%dma_wait3A_17, %dma_wait3A_18] : memref<80x128xi32, #tpu.memory_space<vmem>> -> memref<1x128xi32, #tpu.memory_space<vmem>>
    %dma_wait3A_20 = tpu.memref_squeeze %dma_wait3A_19 : memref<1x128xi32, #tpu.memory_space<vmem>> -> memref<128xi32, #tpu.memory_space<vmem>>
    %dma_wait3A_21 = arith.constant 0 : i32
    %dma_wait3A_22 = tpu.memref_slice %arg8[%dma_wait3A_21] : memref<10240xf32, #tpu.memory_space<vmem_shared>> -> memref<10240xf32, #tpu.memory_space<vmem_shared>>
    tpu.wait_indirect_dma semaphore(%arg9 : memref<!tpu.dma_semaphore, #tpu.memory_space<semaphore_mem>>) src(%arg7 : memref<128xf32, #tpu.memory_space<vmem>>) dst(%dma_wait3A_22 : memref<10240xf32, #tpu.memory_space<vmem_shared>>)
    %dma_wait3A_23 = arith.constant 75 : i32
    %dma_wait3A_24 = arith.constant 0 : i32
    %dma_wait3A_25 = tpu.memref_slice %arg6[%dma_wait3A_23, %dma_wait3A_24] : memref<80x128xi32, #tpu.memory_space<vmem>> -> memref<1x128xi32, #tpu.memory_space<vmem>>
    %dma_wait3A_26 = tpu.memref_squeeze %dma_wait3A_25 : memref<1x128xi32, #tpu.memory_space<vmem>> -> memref<128xi32, #tpu.memory_space<vmem>>
    %dma_wait3A_27 = arith.constant 0 : i32
    %dma_wait3A_28 = tpu.memref_slice %arg8[%dma_wait3A_27] : memref<10240xf32, #tpu.memory_space<vmem_shared>> -> memref<10240xf32, #tpu.memory_space<vmem_shared>>
    tpu.wait_indirect_dma semaphore(%arg9 : memref<!tpu.dma_semaphore, #tpu.memory_space<semaphore_mem>>) src(%arg7 : memref<128xf32, #tpu.memory_space<vmem>>) dst(%dma_wait3A_28 : memref<10240xf32, #tpu.memory_space<vmem_shared>>)
    %dma_wait3A_29 = arith.constant 76 : i32
    %dma_wait3A_30 = arith.constant 0 : i32
    %dma_wait3A_31 = tpu.memref_slice %arg6[%dma_wait3A_29, %dma_wait3A_30] : memref<80x128xi32, #tpu.memory_space<vmem>> -> memref<1x128xi32, #tpu.memory_space<vmem>>
    %dma_wait3A_32 = tpu.memref_squeeze %dma_wait3A_31 : memref<1x128xi32, #tpu.memory_space<vmem>> -> memref<128xi32, #tpu.memory_space<vmem>>
    %dma_wait3A_33 = arith.constant 0 : i32
    %dma_wait3A_34 = tpu.memref_slice %arg8[%dma_wait3A_33] : memref<10240xf32, #tpu.memory_space<vmem_shared>> -> memref<10240xf32, #tpu.memory_space<vmem_shared>>
    tpu.wait_indirect_dma semaphore(%arg9 : memref<!tpu.dma_semaphore, #tpu.memory_space<semaphore_mem>>) src(%arg7 : memref<128xf32, #tpu.memory_space<vmem>>) dst(%dma_wait3A_34 : memref<10240xf32, #tpu.memory_space<vmem_shared>>)
    %dma_wait3A_35 = arith.constant 77 : i32
    %dma_wait3A_36 = arith.constant 0 : i32
    %dma_wait3A_37 = tpu.memref_slice %arg6[%dma_wait3A_35, %dma_wait3A_36] : memref<80x128xi32, #tpu.memory_space<vmem>> -> memref<1x128xi32, #tpu.memory_space<vmem>>
    %dma_wait3A_38 = tpu.memref_squeeze %dma_wait3A_37 : memref<1x128xi32, #tpu.memory_space<vmem>> -> memref<128xi32, #tpu.memory_space<vmem>>
    %dma_wait3A_39 = arith.constant 0 : i32
    %dma_wait3A_40 = tpu.memref_slice %arg8[%dma_wait3A_39] : memref<10240xf32, #tpu.memory_space<vmem_shared>> -> memref<10240xf32, #tpu.memory_space<vmem_shared>>
    tpu.wait_indirect_dma semaphore(%arg9 : memref<!tpu.dma_semaphore, #tpu.memory_space<semaphore_mem>>) src(%arg7 : memref<128xf32, #tpu.memory_space<vmem>>) dst(%dma_wait3A_40 : memref<10240xf32, #tpu.memory_space<vmem_shared>>)
    %dma_wait3A_41 = arith.constant 78 : i32
    %dma_wait3A_42 = arith.constant 0 : i32
    %dma_wait3A_43 = tpu.memref_slice %arg6[%dma_wait3A_41, %dma_wait3A_42] : memref<80x128xi32, #tpu.memory_space<vmem>> -> memref<1x128xi32, #tpu.memory_space<vmem>>
    %dma_wait3A_44 = tpu.memref_squeeze %dma_wait3A_43 : memref<1x128xi32, #tpu.memory_space<vmem>> -> memref<128xi32, #tpu.memory_space<vmem>>
    %dma_wait3A_45 = arith.constant 0 : i32
    %dma_wait3A_46 = tpu.memref_slice %arg8[%dma_wait3A_45] : memref<10240xf32, #tpu.memory_space<vmem_shared>> -> memref<10240xf32, #tpu.memory_space<vmem_shared>>
    tpu.wait_indirect_dma semaphore(%arg9 : memref<!tpu.dma_semaphore, #tpu.memory_space<semaphore_mem>>) src(%arg7 : memref<128xf32, #tpu.memory_space<vmem>>) dst(%dma_wait3A_46 : memref<10240xf32, #tpu.memory_space<vmem_shared>>)
    %dma_wait3A_47 = arith.constant 79 : i32
    %dma_wait3A_48 = arith.constant 0 : i32
    %dma_wait3A_49 = tpu.memref_slice %arg6[%dma_wait3A_47, %dma_wait3A_48] : memref<80x128xi32, #tpu.memory_space<vmem>> -> memref<1x128xi32, #tpu.memory_space<vmem>>
    %dma_wait3A_50 = tpu.memref_squeeze %dma_wait3A_49 : memref<1x128xi32, #tpu.memory_space<vmem>> -> memref<128xi32, #tpu.memory_space<vmem>>
    %dma_wait3A_51 = arith.constant 0 : i32
    %dma_wait3A_52 = tpu.memref_slice %arg8[%dma_wait3A_51] : memref<10240xf32, #tpu.memory_space<vmem_shared>> -> memref<10240xf32, #tpu.memory_space<vmem_shared>>
    tpu.wait_indirect_dma semaphore(%arg9 : memref<!tpu.dma_semaphore, #tpu.memory_space<semaphore_mem>>) src(%arg7 : memref<128xf32, #tpu.memory_space<vmem>>) dst(%dma_wait3A_52 : memref<10240xf32, #tpu.memory_space<vmem_shared>>)
    %barrier3A_53 = arith.constant 0 : index
    tpu.barrier barrier_id(%barrier3A_53)
    %mul3A_54 = arith.constant 640 : i32
    %mul3A_55 = arith.muli %arg1, %mul3A_54 : i32
    %mul3A_56 = arith.constant 10240 : i32
    %mul3A_57 = arith.muli %arg0, %mul3A_56 : i32
    %mul3A_58 = arith.constant 640 : i32
    %mul3A_59 = arith.muli %arg1, %mul3A_58 : i32
    %add3A_60 = arith.addi %mul3A_57, %mul3A_59 : i32
    "tpu.region"() ({
      %run_scoped3A_61 = tpu.sem_alloc : memref<!tpu.dma_semaphore, #tpu.memory_space<semaphore_mem>>
      %dma_start3A = tpu.memref_slice %arg5[%add3A_60] : memref<20480xf32, #tpu.memory_space<hbm>> -> memref<640xf32, #tpu.memory_space<hbm>>
      %dma_start3A_62 = tpu.memref_slice %arg8[%mul3A_55] : memref<10240xf32, #tpu.memory_space<vmem_shared>> -> memref<640xf32, #tpu.memory_space<vmem_shared>>
      tpu.enqueue_dma source(%dma_start3A_62 : memref<640xf32, #tpu.memory_space<vmem_shared>>) target(%dma_start3A : memref<640xf32, #tpu.memory_space<hbm>>) target_semaphore(%run_scoped3A_61 : memref<!tpu.dma_semaphore, #tpu.memory_space<semaphore_mem>>)
      %dma_wait3A_63 = tpu.memref_slice %arg5[%add3A_60] : memref<20480xf32, #tpu.memory_space<hbm>> -> memref<640xf32, #tpu.memory_space<hbm>>
      %dma_wait3A_64 = tpu.memref_slice %arg8[%mul3A_55] : memref<10240xf32, #tpu.memory_space<vmem_shared>> -> memref<640xf32, #tpu.memory_space<vmem_shared>>
      tpu.wait_dma2 semaphore(%run_scoped3A_61 : memref<!tpu.dma_semaphore, #tpu.memory_space<semaphore_mem>>) src(%dma_wait3A_64 : memref<640xf32, #tpu.memory_space<vmem_shared>>) dst(%dma_wait3A_63 : memref<640xf32, #tpu.memory_space<hbm>>)
      tpu.yield
    }) : () -> ()
    return
  }
}

module attributes {stable_mosaic.version = 14 : i64} {
  func.func @_k1_body(%arg0: i32, %arg1: memref<2000x128xf32, #tpu.memory_space<vmem>>, %arg2: memref<128x128xf32, #tpu.memory_space<vmem>>, %arg3: memref<2000x1xf32, #tpu.memory_space<vmem>>, %arg4: memref<2000x128xf32, #tpu.memory_space<vmem>>) attributes {dimension_semantics = [#tpu.dimension_semantics<arbitrary>], iteration_bounds = array<i64: 5>, scalar_prefetch = 0 : i64, scratch_operands = 0 : i64, tpu.core_type = #tpu.core_type<tc>, window_params = [{transform_indices = @transform_0, window_bounds = array<i64: 2000, 128>}, {pipeline_mode = #tpu.pipeline_mode<synchronous>, transform_indices = @transform_1, window_bounds = array<i64: 128, 128>}, {transform_indices = @transform_2, window_bounds = array<i64: 2000, 1>}, {transform_indices = @transform_3, window_bounds = array<i64: 2000, 128>}]} {
    %get3A = arith.constant 0 : index
    %get3A_0 = arith.constant 0 : index
    %get3A_1 = vector.load %arg1[%get3A, %get3A_0] : memref<2000x128xf32, #tpu.memory_space<vmem>>, vector<2000x128xf32>
    %get3A_2 = arith.constant 0 : index
    %get3A_3 = arith.constant 0 : index
    %get3A_4 = vector.load %arg2[%get3A_2, %get3A_3] : memref<128x128xf32, #tpu.memory_space<vmem>>, vector<128x128xf32>
    %dot_general3A = arith.constant dense<0.000000e+00> : vector<2000x128xf32>
    %dot_general3A_5 = tpu.matmul %get3A_1, %get3A_4, %dot_general3A {dimension_numbers = #tpu.dot_dimension_numbers<[1], [0], [0], [1], [0, 0, 1, 1], [], []>, transpose_lhs_hint = false} : vector<2000x128xf32>, vector<128x128xf32>, vector<2000x128xf32> -> vector<2000x128xf32>
    %get3A_6 = arith.constant 0 : index
    %get3A_7 = arith.constant 0 : index
    %get3A_8 = vector.load %arg3[%get3A_6, %get3A_7] : memref<2000x1xf32, #tpu.memory_space<vmem>>, vector<2000x1xf32>
    %rsqrt3A = math.rsqrt %get3A_8 : vector<2000x1xf32>
    %mul3A = vector.broadcast %rsqrt3A : vector<2000x1xf32> to vector<2000x128xf32>
    %mul3A_9 = arith.mulf %dot_general3A_5, %mul3A : vector<2000x128xf32>
    %swap3A = arith.constant 0 : index
    %swap3A_10 = arith.constant 0 : index
    %swap3A_11 = vector.load %arg4[%swap3A, %swap3A_10] : memref<2000x128xf32, #tpu.memory_space<vmem>>, vector<2000x128xf32>
    tpu.vector_store %arg4[%swap3A, %swap3A_10], %mul3A_9 {strides = array<i32>} : memref<2000x128xf32, #tpu.memory_space<vmem>>, vector<2000x128xf32>,
    return
  }
  func.func @transform_0(%arg0: i32) -> (i32, i32) {
    %c0_i32 = arith.constant 0 : i32
    %c0_i32_0 = arith.constant 0 : i32
    return %arg0, %c0_i32 : i32, i32
  }
  func.func @transform_1(%arg0: i32) -> (i32, i32) {
    %c0_i32 = arith.constant 0 : i32
    %c0_i32_0 = arith.constant 0 : i32
    %c0_i32_1 = arith.constant 0 : i32
    return %c0_i32, %c0_i32_0 : i32, i32
  }
  func.func @transform_2(%arg0: i32) -> (i32, i32) {
    %c0_i32 = arith.constant 0 : i32
    %c0_i32_0 = arith.constant 0 : i32
    return %arg0, %c0_i32 : i32, i32
  }
  func.func @transform_3(%arg0: i32) -> (i32, i32) {
    %c0_i32 = arith.constant 0 : i32
    %c0_i32_0 = arith.constant 0 : i32
    return %arg0, %c0_i32 : i32, i32
  }
}

module attributes {stable_mosaic.version = 14 : i64} {
  func.func @_k2_body(%arg0: i32, %arg1: memref<2x2000x128xf32, #tpu.memory_space<vmem>>, %arg2: memref<2000x1xf32, #tpu.memory_space<vmem>>, %arg3: memref<1x128xf32, #tpu.memory_space<vmem>>, %arg4: memref<128x128xf32, #tpu.memory_space<vmem>>, %arg5: memref<2000x128xf32, #tpu.memory_space<vmem>>) attributes {dimension_semantics = [#tpu.dimension_semantics<arbitrary>], iteration_bounds = array<i64: 5>, scalar_prefetch = 0 : i64, scratch_operands = 0 : i64, tpu.core_type = #tpu.core_type<tc>, window_params = [{transform_indices = @transform_0, window_bounds = array<i64: 2, 2000, 128>}, {transform_indices = @transform_1, window_bounds = array<i64: 2000, 1>}, {pipeline_mode = #tpu.pipeline_mode<synchronous>, transform_indices = @transform_2, window_bounds = array<i64: 1, 128>}, {pipeline_mode = #tpu.pipeline_mode<synchronous>, transform_indices = @transform_3, window_bounds = array<i64: 128, 128>}, {transform_indices = @transform_4, window_bounds = array<i64: 2000, 128>}]} {
    %get3A = arith.constant 0 : index
    %get3A_0 = arith.constant 0 : index
    %get3A_1 = vector.load %arg2[%get3A, %get3A_0] : memref<2000x1xf32, #tpu.memory_space<vmem>>, vector<2000x1xf32>
    %rsqrt3A = math.rsqrt %get3A_1 : vector<2000x1xf32>
    %get3A_2 = arith.constant 0 : index
    %get3A_3 = arith.constant 0 : index
    %get3A_4 = arith.constant 0 : index
    %get3A_5 = vector.load %arg1[%get3A_2, %get3A_3, %get3A_4] : memref<2x2000x128xf32, #tpu.memory_space<vmem>>, vector<1x2000x128xf32>
    %get3A_6 = vector.shape_cast %get3A_5 : vector<1x2000x128xf32> to vector<2000x128xf32>
    %get3A_7 = arith.constant 1 : index
    %get3A_8 = arith.constant 0 : index
    %get3A_9 = arith.constant 0 : index
    %get3A_10 = vector.load %arg1[%get3A_7, %get3A_8, %get3A_9] : memref<2x2000x128xf32, #tpu.memory_space<vmem>>, vector<1x2000x128xf32>
    %get3A_11 = vector.shape_cast %get3A_10 : vector<1x2000x128xf32> to vector<2000x128xf32>
    %add3A = arith.addf %get3A_6, %get3A_11 : vector<2000x128xf32>
    %mul3A = vector.broadcast %rsqrt3A : vector<2000x1xf32> to vector<2000x128xf32>
    %mul3A_12 = arith.mulf %add3A, %mul3A : vector<2000x128xf32>
    %get3A_13 = arith.constant 0 : index
    %get3A_14 = arith.constant 0 : index
    %get3A_15 = vector.load %arg3[%get3A_13, %get3A_14] : memref<1x128xf32, #tpu.memory_space<vmem>>, vector<1x128xf32>
    %add3A_16 = vector.broadcast %get3A_15 : vector<1x128xf32> to vector<2000x128xf32>
    %add3A_17 = arith.addf %mul3A_12, %add3A_16 : vector<2000x128xf32>
    %max3A = arith.constant 0.000000e+00 : f32
    %max3A_18 = vector.broadcast %max3A : f32 to vector<2000x128xf32>
    %max3A_19 = arith.maximumf %add3A_17, %max3A_18 : vector<2000x128xf32>
    %get3A_20 = arith.constant 0 : index
    %get3A_21 = arith.constant 0 : index
    %get3A_22 = vector.load %arg4[%get3A_20, %get3A_21] : memref<128x128xf32, #tpu.memory_space<vmem>>, vector<128x128xf32>
    %dot_general3A = arith.constant dense<0.000000e+00> : vector<2000x128xf32>
    %dot_general3A_23 = tpu.matmul %max3A_19, %get3A_22, %dot_general3A {dimension_numbers = #tpu.dot_dimension_numbers<[1], [0], [0], [1], [0, 0, 1, 1], [], []>, transpose_lhs_hint = false} : vector<2000x128xf32>, vector<128x128xf32>, vector<2000x128xf32> -> vector<2000x128xf32>
    %mul3A_24 = vector.broadcast %rsqrt3A : vector<2000x1xf32> to vector<2000x128xf32>
    %mul3A_25 = arith.mulf %dot_general3A_23, %mul3A_24 : vector<2000x128xf32>
    %swap3A = arith.constant 0 : index
    %swap3A_26 = arith.constant 0 : index
    %swap3A_27 = vector.load %arg5[%swap3A, %swap3A_26] : memref<2000x128xf32, #tpu.memory_space<vmem>>, vector<2000x128xf32>
    tpu.vector_store %arg5[%swap3A, %swap3A_26], %mul3A_25 {strides = array<i32>} : memref<2000x128xf32, #tpu.memory_space<vmem>>, vector<2000x128xf32>,
    return
  }
  func.func @transform_0(%arg0: i32) -> (i32, i32, i32) {
    %c0_i32 = arith.constant 0 : i32
    %c0_i32_0 = arith.constant 0 : i32
    %c0_i32_1 = arith.constant 0 : i32
    return %c0_i32, %arg0, %c0_i32_0 : i32, i32, i32
  }
  func.func @transform_1(%arg0: i32) -> (i32, i32) {
    %c0_i32 = arith.constant 0 : i32
    %c0_i32_0 = arith.constant 0 : i32
    return %arg0, %c0_i32 : i32, i32
  }
  func.func @transform_2(%arg0: i32) -> (i32, i32) {
    %c0_i32 = arith.constant 0 : i32
    %c0_i32_0 = arith.constant 0 : i32
    %c0_i32_1 = arith.constant 0 : i32
    return %c0_i32, %c0_i32_0 : i32, i32
  }
  func.func @transform_3(%arg0: i32) -> (i32, i32) {
    %c0_i32 = arith.constant 0 : i32
    %c0_i32_0 = arith.constant 0 : i32
    %c0_i32_1 = arith.constant 0 : i32
    return %c0_i32, %c0_i32_0 : i32, i32
  }
  func.func @transform_4(%arg0: i32) -> (i32, i32) {
    %c0_i32 = arith.constant 0 : i32
    %c0_i32_0 = arith.constant 0 : i32
    return %arg0, %c0_i32 : i32, i32
  }
}

module attributes {stable_mosaic.version = 14 : i64} {
  func.func @_k3_body(%arg0: i32, %arg1: memref<2x2000x128xf32, #tpu.memory_space<vmem>>, %arg2: memref<2000x1xf32, #tpu.memory_space<vmem>>, %arg3: memref<1x128xf32, #tpu.memory_space<vmem>>, %arg4: memref<2000x1xi32, #tpu.memory_space<vmem>>, %arg5: memref<128x128xf32, #tpu.memory_space<vmem>>, %arg6: memref<1x128xf32, #tpu.memory_space<vmem>>, %arg7: memref<64x128xf32, #tpu.memory_space<vmem>>, %arg8: memref<64x128xf32, #tpu.memory_space<vmem>>, %arg9: memref<64x128xf32, #tpu.memory_space<vmem>>) attributes {dimension_semantics = [#tpu.dimension_semantics<arbitrary>], iteration_bounds = array<i64: 5>, scalar_prefetch = 0 : i64, scratch_operands = 2 : i64, tpu.core_type = #tpu.core_type<tc>, window_params = [{transform_indices = @transform_0, window_bounds = array<i64: 2, 2000, 128>}, {transform_indices = @transform_1, window_bounds = array<i64: 2000, 1>}, {pipeline_mode = #tpu.pipeline_mode<synchronous>, transform_indices = @transform_2, window_bounds = array<i64: 1, 128>}, {transform_indices = @transform_3, window_bounds = array<i64: 2000, 1>}, {pipeline_mode = #tpu.pipeline_mode<synchronous>, transform_indices = @transform_4, window_bounds = array<i64: 128, 128>}, {pipeline_mode = #tpu.pipeline_mode<synchronous>, transform_indices = @transform_5, window_bounds = array<i64: 1, 128>}, {pipeline_mode = #tpu.pipeline_mode<synchronous>, transform_indices = @transform_6, window_bounds = array<i64: 64, 128>}]} {
    %eq3A = arith.constant 0 : i32
    %eq3A_0 = arith.cmpi eq, %arg0, %eq3A : i32
    %convert_element_type3A = arith.extui %eq3A_0 : i1 to i32
    %cond3A = arith.constant 0 : i32
    %cond3A_1 = arith.cmpi ne, %convert_element_type3A, %cond3A : i32
    scf.if %cond3A_1 {
      %broadcast_in_dim3A_51 = arith.constant 0.000000e+00 : f32
      %broadcast_in_dim3A_52 = vector.broadcast %broadcast_in_dim3A_51 : f32 to vector<64x128xf32>
      %swap3A_53 = arith.constant 0 : index
      %swap3A_54 = arith.constant 0 : index
      %swap3A_55 = vector.load %arg8[%swap3A_53, %swap3A_54] : memref<64x128xf32, #tpu.memory_space<vmem>>, vector<64x128xf32>
      tpu.vector_store %arg8[%swap3A_53, %swap3A_54], %broadcast_in_dim3A_52 {strides = array<i32>} : memref<64x128xf32, #tpu.memory_space<vmem>>, vector<64x128xf32>,
      %broadcast_in_dim3A_56 = arith.constant 0.000000e+00 : f32
      %broadcast_in_dim3A_57 = vector.broadcast %broadcast_in_dim3A_56 : f32 to vector<64x128xf32>
      %swap3A_58 = arith.constant 0 : index
      %swap3A_59 = arith.constant 0 : index
      %swap3A_60 = vector.load %arg9[%swap3A_58, %swap3A_59] : memref<64x128xf32, #tpu.memory_space<vmem>>, vector<64x128xf32>
      tpu.vector_store %arg9[%swap3A_58, %swap3A_59], %broadcast_in_dim3A_57 {strides = array<i32>} : memref<64x128xf32, #tpu.memory_space<vmem>>, vector<64x128xf32>,
    } else {
    }
    %get3A = arith.constant 0 : index
    %get3A_2 = arith.constant 0 : index
    %get3A_3 = vector.load %arg2[%get3A, %get3A_2] : memref<2000x1xf32, #tpu.memory_space<vmem>>, vector<2000x1xf32>
    %rsqrt3A = math.rsqrt %get3A_3 : vector<2000x1xf32>
    %get3A_4 = arith.constant 0 : index
    %get3A_5 = arith.constant 0 : index
    %get3A_6 = arith.constant 0 : index
    %get3A_7 = vector.load %arg1[%get3A_4, %get3A_5, %get3A_6] : memref<2x2000x128xf32, #tpu.memory_space<vmem>>, vector<1x2000x128xf32>
    %get3A_8 = vector.shape_cast %get3A_7 : vector<1x2000x128xf32> to vector<2000x128xf32>
    %get3A_9 = arith.constant 1 : index
    %get3A_10 = arith.constant 0 : index
    %get3A_11 = arith.constant 0 : index
    %get3A_12 = vector.load %arg1[%get3A_9, %get3A_10, %get3A_11] : memref<2x2000x128xf32, #tpu.memory_space<vmem>>, vector<1x2000x128xf32>
    %get3A_13 = vector.shape_cast %get3A_12 : vector<1x2000x128xf32> to vector<2000x128xf32>
    %add3A = arith.addf %get3A_8, %get3A_13 : vector<2000x128xf32>
    %mul3A = vector.broadcast %rsqrt3A : vector<2000x1xf32> to vector<2000x128xf32>
    %mul3A_14 = arith.mulf %add3A, %mul3A : vector<2000x128xf32>
    %get3A_15 = arith.constant 0 : index
    %get3A_16 = arith.constant 0 : index
    %get3A_17 = vector.load %arg3[%get3A_15, %get3A_16] : memref<1x128xf32, #tpu.memory_space<vmem>>, vector<1x128xf32>
    %add3A_18 = vector.broadcast %get3A_17 : vector<1x128xf32> to vector<2000x128xf32>
    %add3A_19 = arith.addf %mul3A_14, %add3A_18 : vector<2000x128xf32>
    %max3A = arith.constant 0.000000e+00 : f32
    %max3A_20 = vector.broadcast %max3A : f32 to vector<2000x128xf32>
    %max3A_21 = arith.maximumf %add3A_19, %max3A_20 : vector<2000x128xf32>
    %get3A_22 = arith.constant 0 : index
    %get3A_23 = arith.constant 0 : index
    %get3A_24 = vector.load %arg4[%get3A_22, %get3A_23] : memref<2000x1xi32, #tpu.memory_space<vmem>>, vector<2000x1xi32>
    %iota3A = tpu.iota {dimensions = array<i32: 1>} : vector<2000x64xi32>
    %eq3A_25 = vector.broadcast %get3A_24 : vector<2000x1xi32> to vector<2000x64xi32>
    %eq3A_26 = arith.cmpi eq, %eq3A_25, %iota3A : vector<2000x64xi32>
    %convert_element_type3A_27 = arith.extui %eq3A_26 : vector<2000x64xi1> to vector<2000x64xi32>
    %convert_element_type3A_28 = arith.sitofp %convert_element_type3A_27 : vector<2000x64xi32> to vector<2000x64xf32>
    %get3A_29 = arith.constant 0 : index
    %get3A_30 = arith.constant 0 : index
    %get3A_31 = vector.load %arg8[%get3A_29, %get3A_30] : memref<64x128xf32, #tpu.memory_space<vmem>>, vector<64x128xf32>
    %dot_general3A = arith.constant dense<0.000000e+00> : vector<64x128xf32>
    %dot_general3A_32 = tpu.matmul %convert_element_type3A_28, %max3A_21, %dot_general3A {dimension_numbers = #tpu.dot_dimension_numbers<[0], [0], [1], [1], [0, 1, 1, 1], [], []>, transpose_lhs_hint = false} : vector<2000x64xf32>, vector<2000x128xf32>, vector<64x128xf32> -> vector<64x128xf32>
    %add3A_33 = arith.addf %get3A_31, %dot_general3A_32 : vector<64x128xf32>
    %swap3A = arith.constant 0 : index
    %swap3A_34 = arith.constant 0 : index
    %swap3A_35 = vector.load %arg8[%swap3A, %swap3A_34] : memref<64x128xf32, #tpu.memory_space<vmem>>, vector<64x128xf32>
    tpu.vector_store %arg8[%swap3A, %swap3A_34], %add3A_33 {strides = array<i32>} : memref<64x128xf32, #tpu.memory_space<vmem>>, vector<64x128xf32>,
    %get3A_36 = arith.constant 0 : index
    %get3A_37 = arith.constant 0 : index
    %get3A_38 = vector.load %arg9[%get3A_36, %get3A_37] : memref<64x128xf32, #tpu.memory_space<vmem>>, vector<64x128xf32>
    %broadcast_in_dim3A = arith.constant 1.000000e+00 : f32
    %broadcast_in_dim3A_39 = vector.broadcast %broadcast_in_dim3A : f32 to vector<2000x128xf32>
    %dot_general3A_40 = arith.constant dense<0.000000e+00> : vector<64x128xf32>
    %dot_general3A_41 = tpu.matmul %convert_element_type3A_28, %broadcast_in_dim3A_39, %dot_general3A_40 {dimension_numbers = #tpu.dot_dimension_numbers<[0], [0], [1], [1], [0, 1, 1, 1], [], []>, transpose_lhs_hint = false} : vector<2000x64xf32>, vector<2000x128xf32>, vector<64x128xf32> -> vector<64x128xf32>
    %add3A_42 = arith.addf %get3A_38, %dot_general3A_41 : vector<64x128xf32>
    %swap3A_43 = arith.constant 0 : index
    %swap3A_44 = arith.constant 0 : index
    %swap3A_45 = vector.load %arg9[%swap3A_43, %swap3A_44] : memref<64x128xf32, #tpu.memory_space<vmem>>, vector<64x128xf32>
    tpu.vector_store %arg9[%swap3A_43, %swap3A_44], %add3A_42 {strides = array<i32>} : memref<64x128xf32, #tpu.memory_space<vmem>>, vector<64x128xf32>,
    %eq3A_46 = arith.constant 4 : i32
    %eq3A_47 = arith.cmpi eq, %arg0, %eq3A_46 : i32
    %convert_element_type3A_48 = arith.extui %eq3A_47 : i1 to i32
    %cond3A_49 = arith.constant 0 : i32
    %cond3A_50 = arith.cmpi ne, %convert_element_type3A_48, %cond3A_49 : i32
    scf.if %cond3A_50 {
      %get3A_51 = arith.constant 0 : index
      %get3A_52 = arith.constant 0 : index
      %get3A_53 = vector.load %arg8[%get3A_51, %get3A_52] : memref<64x128xf32, #tpu.memory_space<vmem>>, vector<64x128xf32>
      %get3A_54 = arith.constant 0 : index
      %get3A_55 = arith.constant 0 : index
      %get3A_56 = vector.load %arg9[%get3A_54, %get3A_55] : memref<64x128xf32, #tpu.memory_space<vmem>>, vector<64x128xf32>
      %max3A_57 = arith.constant 1.000000e+00 : f32
      %max3A_58 = vector.broadcast %max3A_57 : f32 to vector<64x128xf32>
      %max3A_59 = arith.maximumf %get3A_56, %max3A_58 : vector<64x128xf32>
      %div3A = arith.divf %get3A_53, %max3A_59 : vector<64x128xf32>
      %get3A_60 = arith.constant 0 : index
      %get3A_61 = arith.constant 0 : index
      %get3A_62 = vector.load %arg5[%get3A_60, %get3A_61] : memref<128x128xf32, #tpu.memory_space<vmem>>, vector<128x128xf32>
      %dot_general3A_63 = arith.constant dense<0.000000e+00> : vector<64x128xf32>
      %dot_general3A_64 = tpu.matmul %div3A, %get3A_62, %dot_general3A_63 {dimension_numbers = #tpu.dot_dimension_numbers<[1], [0], [0], [1], [0, 0, 1, 1], [], []>, transpose_lhs_hint = false} : vector<64x128xf32>, vector<128x128xf32>, vector<64x128xf32> -> vector<64x128xf32>
      %get3A_65 = arith.constant 0 : index
      %get3A_66 = arith.constant 0 : index
      %get3A_67 = vector.load %arg6[%get3A_65, %get3A_66] : memref<1x128xf32, #tpu.memory_space<vmem>>, vector<1x128xf32>
      %add3A_68 = vector.broadcast %get3A_67 : vector<1x128xf32> to vector<64x128xf32>
      %add3A_69 = arith.addf %dot_general3A_64, %add3A_68 : vector<64x128xf32>
      %swap3A_70 = arith.constant 0 : index
      %swap3A_71 = arith.constant 0 : index
      %swap3A_72 = vector.load %arg7[%swap3A_70, %swap3A_71] : memref<64x128xf32, #tpu.memory_space<vmem>>, vector<64x128xf32>
      tpu.vector_store %arg7[%swap3A_70, %swap3A_71], %add3A_69 {strides = array<i32>} : memref<64x128xf32, #tpu.memory_space<vmem>>, vector<64x128xf32>,
    } else {
    }
    return
  }
  func.func @transform_0(%arg0: i32) -> (i32, i32, i32) {
    %c0_i32 = arith.constant 0 : i32
    %c0_i32_0 = arith.constant 0 : i32
    %c0_i32_1 = arith.constant 0 : i32
    return %c0_i32, %arg0, %c0_i32_0 : i32, i32, i32
  }
  func.func @transform_1(%arg0: i32) -> (i32, i32) {
    %c0_i32 = arith.constant 0 : i32
    %c0_i32_0 = arith.constant 0 : i32
    return %arg0, %c0_i32 : i32, i32
  }
  func.func @transform_2(%arg0: i32) -> (i32, i32) {
    %c0_i32 = arith.constant 0 : i32
    %c0_i32_0 = arith.constant 0 : i32
    %c0_i32_1 = arith.constant 0 : i32
    return %c0_i32, %c0_i32_0 : i32, i32
  }
  func.func @transform_3(%arg0: i32) -> (i32, i32) {
    %c0_i32 = arith.constant 0 : i32
    %c0_i32_0 = arith.constant 0 : i32
    return %arg0, %c0_i32 : i32, i32
  }
  func.func @transform_4(%arg0: i32) -> (i32, i32) {
    %c0_i32 = arith.constant 0 : i32
    %c0_i32_0 = arith.constant 0 : i32
    %c0_i32_1 = arith.constant 0 : i32
    return %c0_i32, %c0_i32_0 : i32, i32
  }
  func.func @transform_5(%arg0: i32) -> (i32, i32) {
    %c0_i32 = arith.constant 0 : i32
    %c0_i32_0 = arith.constant 0 : i32
    %c0_i32_1 = arith.constant 0 : i32
    return %c0_i32, %c0_i32_0 : i32, i32
  }
  func.func @transform_6(%arg0: i32) -> (i32, i32) {
    %c0_i32 = arith.constant 0 : i32
    %c0_i32_0 = arith.constant 0 : i32
    %c0_i32_1 = arith.constant 0 : i32
    return %c0_i32, %c0_i32_0 : i32, i32
  }
}

</mosaic_0001>

<sc_bundles>
// kernel: kernel.11.cloned.1.call-start
scs
__scs_entry_jumppad:
0x0: {  	(pc) =	sbr.rel $0x88, $3  }
0x1: {  	(tag) =	ssettag $0x0;
	lr =	simm.s32 $0x1  }
0x2: {  	[smem:$0x3F98] =	sst lr;
	_ =	strace $0xD0000000  }
0x3: {  	_ = 	snop  }
0x4: {  	_ = 	snop  }
0x5: {  	_ = 	snop  }
0x6: {  	_ = 	snop  }
0x7: {  	_ = 	snop  }
__scs_overlays_trampoline_lowered:
0x8: {  	[smem:$0x3FA7] =	sst s0  }
0x9: {  	[smem:$0x3FA8] =	sst s1  }
0xa: {  	[smem:$0x3FA9] =	sst s2  }
0xb: {  	[smem:$0x3FAA] =	sst s3  }
0xc: {  	[smem:$0x3FAB] =	sst s4  }
0xd: {  	[smem:$0x3FAC] =	sst s5  }
0xe: {  	[smem:$0x3FAD] =	sst s6  }
0xf: {  	[smem:$0x3FAE] =	sst s7  }
0x10: {  	[smem:$0x3FAF] =	sst s8  }
0x11: {  	[smem:$0x3FB0] =	sst s9;
	s0 =	simm.s32 @!p0 $0x0  }
0x12: {  	s1 =	sld [smem:$0x3F96];
	s0 =	simm.s32 @p0 $0x1  }
0x13: {  	[smem:$0x3FB1] =	sst s0;
	s0 =	simm.s32 @!p1 $0x0  }
0x14: {  	s2 =	sld [smem:$0x3F95];
	s0 =	simm.s32 @p1 $0x1  }
0x15: {  	[smem:$0x3FB2] =	sst s0;
	s0 =	simm.s32 @!p2 $0x0  }
0x16: {  	s3 =	sld [smem:$0x3FDB];
	s0 =	simm.s32 @p2 $0x1  }
0x17: {  	s4 =	simm.s32 $0x1BF5;
	[smem:$0x3FB4] =	sst s0  }
0x18: {  	s0 =	sld [smem:$0x3F97];
	_ =	swait.ge [sflag:s4], $0x0  }
0x19: {  	s7 =	sld [smem:$0x3F98]  }
0x1a: {  	s8 =	sadd.s32 $0xFFFFE003, lr  }
0x1b: {  	s9 =	sadd.s32 $0xFFFFFEF7, lr;
	s5 =	simm.s32 $0xFFFFFFFF;
	p2 =	slt.u32 s8, $0xFFFFF086  }
0x1c: {  	p1 =	slt.u32 s9, $0xF7A;
	s5 =	simm.s32 @!p2 $0x0  }
0x1d: {  	s5 =	simm.s32 @p1 $0x1;
	p0 =	seq.s32 s7, s2  }
0x1e: {  	s7 =	smul.u32 @!p0 $0xF7A, s2;
	p2 =	seq.s32 @!p0 s5, $0x0  }
0x1f: {  	s9 =	smul.u32 $0xF7A, s1;
	s8 =	simm.s32 @!p0 $0x1BF5;
	p2 =	por !p2, p0  }
0x20: {  	[sflag:s8] =	ssyncset.s32 @!p0 $0xFFFFF086;
	s6 =	sadd.s32 @!p0 s3, s7;
	s7 =	simm.s32 @!p0 $0x108  }
0x21: {  	s3 =	sadd.s32 s3, s9;
	s6 =	sadd.s32 @!p0 $0x88, s6;
	s7 =	simm.s32 @p2 $0x1082  }
0x22: {  	[simem:s7], [sflag:s8] =	dma.local @!p0 [hbm:s6], $0xF7A  }
0x23: {  	s9 =	sor.u32 $0xD0000000, s2;
	s6 =	simm.s32 $0x108;
	_ =	swait.ge @!p0 [sflag:s8], $0x0  }
0x24: {  	s3 =	sadd.s32 $0x88, s3;
	s6 =	simm.s32 @!p1 $0x1082;
	[sflag:s4] =	ssyncset.s32 $0xFFFFF086  }
0x25: {  	[simem:s6], [sflag:s4] =	dma.local [hbm:s3], $0xF7A  }
0x26: {  	[smem:$0x3F98] =	sst s1;
	(tag) =	ssettag s2;
	_ =	strace s9  }
0x27: {  	s1 =	sld [smem:$0x3FA8]  }
0x28: {  	s2 =	sld [smem:$0x3FA9]  }
0x29: {  	s4 =	sld [smem:$0x3FAB]  }
0x2a: {  	p0 =	seq.s32 s5, $0x0;
	s5 =	sld [smem:$0x3FAC]  }
0x2b: {  	s6 =	sld [smem:$0x3FAD]  }
0x2c: {  	s7 =	sld [smem:$0x3FAE]  }
0x2d: {  	s3 =	simm.s32 $0x108;
	s8 =	sld [smem:$0x3FAF]  }
0x2e: {  	s3 =	simm.s32 @!p0 $0x1082;
	s9 =	sld [smem:$0x3FB0]  }
0x2f: {  	lr =	sadd.s32 s0, s3;
	s0 =	sld [smem:$0x3FA7]  }
0x30: {  	s3 =	sld [smem:$0x3FAA]  }
0x31: {  	[smem:$0x3FB3] =	sst s10  }
0x32: {  	s10 =	sld [smem:$0x3FB1];
	_ =	sdelay $0x3  }
0x33: {  	p0 =	seq.s32 s10, $0x1;
	s10 =	sld [smem:$0x3FB3];
	_ =	sdelay $0x3  }
0x34: {  	[smem:$0x3FB3] =	sst s10  }
0x35: {  	s10 =	sld [smem:$0x3FB2];
	_ =	sdelay $0x3  }
0x36: {  	p1 =	seq.s32 s10, $0x1;
	s10 =	sld [smem:$0x3FB3];
	_ =	sdelay $0x3  }
0x37: {  	[smem:$0x3FB3] =	sst s10  }
0x38: {  	s10 =	sld [smem:$0x3FB4]  }
0x39: {  	_ = 	snop;
	(pc) =	sbr.ind lr, $3  }
0x3a: {  	_ = 	snop  }
0x3b: {  	_ = 	snop  }
0x3c: {  	p2 =	seq.s32 s10, $0x1;
	s10 =	sld [smem:$0x3FB3]  }
0x3d: {  	_ =	shalt  }
0x3e: {  	_ =	shalt  }
0x3f: {  	_ =	shalt  }
0x40: {  	_ =	shalt  }
0x41: {  	_ =	shalt  }
0x42: {  	_ =	shalt  }
0x43: {  	_ =	shalt  }
0x44: {  	_ =	shalt  }
0x45: {  	_ =	shalt  }
0x46: {  	_ =	shalt  }
0x47: {  	_ =	shalt  }
0x48: {  	_ =	shalt  }
0x49: {  	_ =	shalt  }
0x4a: {  	_ =	shalt  }
0x4b: {  	_ =	shalt  }
0x4c: {  	_ =	shalt  }
0x4d: {  	_ =	shalt  }
0x4e: {  	_ =	shalt  }
0x4f: {  	_ =	shalt  }
0x50: {  	_ =	shalt  }
0x51: {  	_ =	shalt  }
0x52: {  	_ =	shalt  }
0x53: {  	_ =	shalt  }
0x54: {  	_ =	shalt  }
0x55: {  	_ =	shalt  }
0x56: {  	_ =	shalt  }
0x57: {  	_ =	shalt  }
0x58: {  	_ =	shalt  }
0x59: {  	_ =	shalt  }
0x5a: {  	_ =	shalt  }
0x5b: {  	_ =	shalt  }
0x5c: {  	_ =	shalt  }
0x5d: {  	_ =	shalt  }
0x5e: {  	_ =	shalt  }
0x5f: {  	_ =	shalt  }
0x60: {  	_ =	shalt  }
0x61: {  	_ =	shalt  }
0x62: {  	_ =	shalt  }
0x63: {  	_ =	shalt  }
0x64: {  	_ =	shalt  }
0x65: {  	_ =	shalt  }
0x66: {  	_ =	shalt  }
0x67: {  	_ =	shalt  }
0x68: {  	_ =	shalt  }
0x69: {  	_ =	shalt  }
0x6a: {  	_ =	shalt  }
0x6b: {  	_ =	shalt  }
0x6c: {  	_ =	shalt  }
0x6d: {  	_ =	shalt  }
0x6e: {  	_ =	shalt  }
0x6f: {  	_ =	shalt  }
0x70: {  	_ =	shalt  }
0x71: {  	_ =	shalt  }
0x72: {  	_ =	shalt  }
0x73: {  	_ =	shalt  }
0x74: {  	_ =	shalt  }
0x75: {  	_ =	shalt  }
0x76: {  	_ =	shalt  }
0x77: {  	_ =	shalt  }
0x78: {  	_ =	shalt  }
0x79: {  	_ =	shalt  }
0x7a: {  	_ =	shalt  }
0x7b: {  	_ =	shalt  }
0x7c: {  	_ =	shalt  }
0x7d: {  	_ =	shalt  }
0x7e: {  	_ =	shalt  }
0x7f: {  	_ =	shalt  }
0x80: {  	_ =	shalt  }
0x81: {  	_ =	shalt  }
0x82: {  	_ =	shalt  }
0x83: {  	_ =	shalt  }
0x84: {  	_ =	shalt  }
0x85: {  	_ =	shalt  }
0x86: {  	_ =	shalt  }
0x87: {  	_ =	shalt  }
.Lfunc_end0:
.L_simem_size_0:
called_computation.1_lowered:
.L_overlay_start_0:
0x88: {  	s2 =	sld [smem:$0x3FD9]  }
0x89: {  	s3 =	sld [smem:$0x3FFE];
	_ =	sdelay $0x1  }
0x8a: {  	s1 =	srdreg.scid  }
0x8b: {  	s0 =	sand.u32 $0x1, s1  }
0x8c: {  	s16 =	sshll.u32 s0, $0xA;
	s2 =	sadd.s32 s3, s2  }
0x8d: {  	s2 =	sadd.s32 s2, s16  }
0x8e: {  	[smem:$0x3FBF] =	sst s2  }
0x8f: {  	_ = 	snop  }
0x90: {  	(tm) =	ssettm $0x1  }
0x91: {  	s17 =	sld [smem:$0x3FFB];
	_ =	sdelay $0x3  }
0x92: {  	_ =	strace s17  }
0x93: {  	s2 =	sld [smem:$0x3FFC];
	_ =	sdelay $0x3  }
0x94: {  	_ =	strace s2  }
0x95: {  	s2 =	sld [smem:$0x3FFD];
	_ =	sdelay $0x3  }
0x96: {  	_ =	strace s2  }
0x97: {  	_ =	strace $0x8FFFFFFF  }
0x98: {  	s18 =	sld [smem:$0x3FDB];
	_ =	sdelay $0x1  }
0x99: {  	s19 =	simm.s32 $_scs_section_size  }
0x9a: {  	s4 =	simm.s32 $_size__tile_overlayer_lowered;
	s5 =	simm.s32 $_tile_overlayer_lowered  }
0x9b: {  	s22 =	simm.s32 $0x1BFF;
	s21 =	sshll.u32 s5, $0x1;
	s2 =	sadd.s32 s19, s18  }
0x9c: {  	s6 =	simm.s32 $0x0;
	s20 =	sshll.u32 s4, $0x1;
	s4 =	sadd.s32 s21, s2  }
0x9d: {  	[timem:s6], [sflag:s22] =	dma.local [hbm:s4], s20  }
0x9e: {  	_ =	swait.ge [sflag:s22], s20  }
0x9f: {  	s3 =	ssub.s32 $0x0, s20;
	[sflag:s22] =	ssyncset.done $0x0  }
0xa0: {  	[sflag:s22] =	ssyncadd.s32 s3;
	_ =	sdelay $0x1  }
0xa1: {  	s23 =	simm.s32 $0x1B8B  }
0xa2: {  	_ =	swait.ge [sflag:s23], $0x1  }
0xa3: {  	[sflag:s23] =	ssyncset.done $0x0  }
0xa4: {  	s25 =	simm.s32 $0x1B8E;
	s24 =	sld [smem:$0x3FFE];
	[sflag:s23] =	ssyncadd.s32 $0xFFFFFFFF  }
0xa5: {  	s26 =	simm.s32 $execute0_lowered;
	[smem:$0x3FD2] =	sst s25  }
0xa6: {  	s4 =	sshll.u32 s26, $0x1;
	_ =	strace $0x80000049;
	[dreg:$0x1] =	wrdreg $0xFFFFFFFF  }
0xa7: {  	s28 =	simm.s32 $_size_execute0_lowered;
	s2 =	sadd.s32 s2, s4;
	[dreg:$0x0] =	wrdreg $0x0  }
0xa8: {  	s4 =	sshll.u32 s28, $0x1;
	[dreg:$0x2] =	wrdreg s2  }
0xa9: {  	[dreg:$0x3] =	wrdreg s4  }
0xaa: {  	[dreg:$0x4] =	wrdreg $0xC0  }
0xab: {  	_ =	task [dreg:s6], $0x5FFFF  }
0xac: {  	[dreg:$0x1] =	wrdreg $0xFFFFFFFF  }
0xad: {  	[dreg:$0x0] =	wrdreg $0x60  }
0xae: {  	[dreg:$0x2] =	wrdreg s24  }
0xaf: {  	[dreg:$0x3] =	wrdreg $0xA8000  }
0xb0: {  	[dreg:$0x4] =	wrdreg $0x9  }
0xb1: {  	_ =	task.clear_ibuf [dreg:s6], $0x5FFFF;
	_ =	strace $0x90000049  }
0xb2: {  	s29 =	simm.s32 $0x9;
	_ =	strace $0x8000004B  }
0xb3: {  	_ =	swait.ge [sflag:s29], $0x1  }
0xb4: {  	[sflag:s29] =	ssyncadd.s32 $0xFFFFFFFF  }
0xb5: {  	_ =	strace $0x9000004B  }
0xb6: {  	_ =	sfence  }
0xb7: {  	s30 =	sld [smem:$0x0];
	_ =	sdelay $0x2  }
0xb8: {  	s31 =	sshll.u32 s1, $0xD;
	s1 =	sshrl.u32 s1, $0x2  }
0xb9: {  	s3 =	sand.u32 $0x4000, s31;
	s1 =	sadd.s32 s1, s30  }
0xba: {  	s0 =	sor.u32 s3, s0;
	s1 =	sshll.u32 s1, $0x11  }
0xbb: {  	s0 =	sor.u32 s1, s0  }
0xbc: {  	s0 =	sadd.s32 $0x8F2B, s0  }
0xbd: {  	[sflag:s0] =	ssyncadd.remote.s32 $0x1  }
0xbe: {  	_ =	sfence.sel $0xFFFF  }
0xbf: {  	[dreg:$0x0] =	wrdreg $0xFFFFFFFF;
	(pc) =	sbr.abs _section_cstart, $3  }
0xc0: {  	[dreg:$0x1] =	wrdreg $0xFFFFFFFF  }
0xc1: {  	_ =	task.clear_ibuf [dreg:s6], $0x2FFFF;
	_ =	strace $0x9FFFFFFF  }
0xc2: {  	(tm) =	ssettm $0x7FFFFFFF  }
0xc3: {  	_ =	shalt  }
tec
execute0_lowered:
.L_overlay_start_1:
0x0: {  	(tag) =	ssettag $0x1  }
0x1: {  	s0 =	srdreg.scid;
	s9 =	rddreg [dreg:$0x0]  }
0x2: {  	s23 =	stileid.u32;
	s2 =	rddreg [dreg:$0x1]  }
0x3: {  	s3 =	simm.s32 $0x0;
	s15 =	simm.s32 $0x3;
	s16 =	simm.s32 $0x1400  }
0x4: {  	s17 =	simm.s32 $0x80;
	s18 =	simm.s32 $0x2800;
	s28 =	simm.s32 $0x2  }
0x5: {  	s29 =	simm.s32 $0x1380;
	s30 =	simm.s32 $0x2700;
	s31 =	simm.s32 $0x2780  }
0x6: {  	s0 =	sand.u32 $0x1, s0;
	[smem:$0x7FF] =	sst s3;
	s6 =	smul.u32 $0x14000, s23  }
0x7: {  	s4 =	sadd.s32 $0x16600, s9;
	p0 =	sne.s32 s23, $0xF;
	s25 =	smul.u32 $0x50000, s23  }
0x8: {  	p2 =	seq.s32 s23, $0xF;
	s10 =	smul.u32 $0x2800, s23;
	s21 =	sadd.s32 $0x12C000, s2  }
0x9: {  	s1 =	sshll.u32 s0, $0x4;
	s5 =	smul.u32 $0x140000, s0;
	_ =	strace $0x8000004A  }
0xa: {  	s22 =	ssub.s32 $0x2, s0;
	p1 =	seq.s32 s0, $0x0;
	s1 =	sor.u32 s23, s1  }
0xb: {  	s8 =	sshrl.u32 s22, $0x1;
	p0 =	por !p1, !p0;
	p1 =	por !p1, !p2  }
0xc: {  	s10 =	sadd.s32 s4, s10;
	s1 =	smul.u32 $0x2800, s1;
	s5 =	sadd.s32 s6, s5  }
0xd: {  	s14 =	ssub.s32 s22, s8;
	p0 =	por !p0, !p0;
	p2 =	por !p1, !p1  }
0xe: {  	s8 =	sshrl.u32 s25, $0x2;
	s22 =	sadd.s32 $0x138800, s2;
	s25 =	simm.s32 $0x1  }
0xf: {  	s7 =	sshrl.u32 s5, $0x3;
	s5 =	sadd.s32 $0x3D800, s9;
	s8 =	sadd.s32 s8, s2  }
0x10: {  	p1 =	por p2, p0;
	s14 =	smax.u32 s14, $0x1;
	s1 =	sshrl.u32 s1, $0x3  }
0x11: {  	s13 =	sadd.s32 s7, s9;
	p1 =	seq.s32 @!p1 s0, $0x0;
	s1 =	sadd.s32 s1, s9  }
0x12: {  	s9 =	sadd.s32 $0x3BE00, s9;
	s13 =	sadd.s32 $0x40000, s13;
	p1 =	por @!p0 p1, p2  }
0x13: {  	p2 =	por !p2, p0;
	s24 =	sadd.s32 $0x2600, s1;
	s26 =	sadd.s32 $0xC600, s1  }
0x14: {  	s11 =	sadd.s32 $0x2880, s1;
	s12 =	sadd.s32 $0xC880, s1;
	p1 =	por p1, p0  }
0x15: {  	s21 =	sshrl.u32 @!p2 s21, $0x3;
	s22 =	sshrl.u32 @!p2 s22, $0x3;
	[dreg:$0x3] =	wrdreg s24  }
0x16: {  	s1 =	simm.s32 $0x0;
	[dreg:$0x4] =	wrdreg s26;
	s0 =	sshll.u32 @!p1 s23, $0x6  }
0x17: {  	s20 =	sshrl.u32 @!p1 s8, $0x3;
	s19 =	sor.u32 @!p1 $0x1C03, s0;
	s0 =	sshll.u32 @p0 s23, $0x6  }
0x18: {  	s24 =	sshrl.u32 @p0 s8, $0x3;
	s26 =	simm.s32 $0x6800;
	s23 =	sor.u32 @p0 $0x1C03, s0  }
.LBB2_1:
0x19: {  	s0 =	rddreg [dreg:$0x3]  }
0x1a: {  	[tilespmem:s3], [sflag:$0x3] =	stream.linear.gather [hbm4b:s0+s3], $0x1400, $0x38;
	[tilespmem:$0x1E800] =	vst v63  }
0x1b: {  	_ =	swait.ge [sflag:s15], $0x1400  }
0x1c: {  	[sflag:s15] =	ssyncset.done $0x0  }
0x1d: {  	s7 =	rddreg [dreg:$0x4];
	[sflag:s15] =	ssyncadd.s32 $0xFFFFEC00  }
0x1e: {  	[tilespmem:s16], [sflag:$0x3] =	stream.linear.gather [hbm4b:s7+s3], $0x1400, $0x38;
	[tilespmem:$0x1E800] =	vst v63  }
0x1f: {  	_ =	swait.ge [sflag:s15], $0x1400  }
0x20: {  	[sflag:s15] =	ssyncset.done $0x0  }
0x21: {  	s0 =	simm.s32 @!p1 $0x3;
	[sflag:s15] =	ssyncadd.s32 $0xFFFFEC00  }
0x22: {  	[tilespmem:s18], [sflag:$0x1] =	stream.indirect.gather [hbm4b:s4+s17], $0x80, s3, s17, $0xb8;
	[tilespmem:$0x1E800] =	vst v63  }
0x23: {  	[spmem:s20], [sflag:s19] =	dma.local @!p1 [hbm:s5], $0x2800  }
0x24: {  	_ =	swait.ge @!p1 [sflag:s0], $0x2800  }
0x25: {  	[sflag:s0] =	ssyncset.done @!p1 $0x0  }
0x26: {  	s6 =	simm.s32 @!p2 $0x3;
	[sflag:s0] =	ssyncadd.s32 @!p1 $0xFFFFD800;
	s0 =	simm.s32 @!p2 $0x1FC3  }
0x27: {  	[spmem:s21], [sflag:s0] =	dma.local @!p2 [hbm:s9], $0x1900  }
0x28: {  	_ =	swait.ge @!p2 [sflag:s6], $0x1900  }
0x29: {  	[sflag:s6] =	ssyncset.done @!p2 $0x0  }
0x2a: {  	[sflag:s6] =	ssyncadd.s32 @!p2 $0xFFFFE700  }
0x2b: {  	[spmem:s22], [sflag:s0] =	dma.local @!p2 [hbm:s5], $0xF00  }
0x2c: {  	_ =	swait.ge @!p2 [sflag:s6], $0xF00  }
0x2d: {  	[sflag:s6] =	ssyncset.done @!p2 $0x0  }
0x2e: {  	s0 =	simm.s32 @p0 $0x3;
	[sflag:s6] =	ssyncadd.s32 @!p2 $0xFFFFF100  }
0x2f: {  	[spmem:s24], [sflag:s23] =	dma.local @p0 [hbm:s10], $0x2800  }
0x30: {  	_ =	swait.ge @p0 [sflag:s0], $0x2800  }
0x31: {  	[sflag:s0] =	ssyncset.done @p0 $0x0  }
0x32: {  	[sflag:s0] =	ssyncadd.s32 @p0 $0xFFFFD800  }
0x33: {  	[bflag:$0x0] =	sbarrier.arrive $0xFFFF  }
0x34: {  	_ =	swait.ge [sflag:s25], $0x4000  }
0x35: {  	[sflag:s25] =	ssyncset.done $0x0  }
0x36: {  	s6 =	simm.s32 $0x80;
	[sflag:s25] =	ssyncadd.s32 $0xFFFFC000  }
0x37: {  	[tilespmem:s26], [sflag:$0x2] =	stream.indirect.gather [hbm4b:s4+s17], $0x80, s6, s17, $0xb8;
	[tilespmem:$0x1E800] =	vst v63  }
0x38: {  	s7 =	simm.s32 $0x1400  }
0x39: {  	[spmem:s2] =	stream.indirect.scatter.add.f32 [tilespmem:s18], [sflag:$0x3], $0x80, s7, s17, $0xb8;
	[tilespmem:$0x1E800] =	vst v63  }
0x3a: {  	_ =	swait.ge [sflag:s15], $0x4000  }
0x3b: {  	[sflag:s15] =	ssyncset.done $0x0  }
0x3c: {  	[sflag:s15] =	ssyncadd.s32 $0xFFFFC000  }
0x3d: {  	_ =	swait.ge [sflag:s28], $0x4000  }
0x3e: {  	[sflag:s28] =	ssyncset.done $0x0  }
0x3f: {  	s6 =	simm.s32 $0x100;
	[sflag:s28] =	ssyncadd.s32 $0xFFFFC000  }
0x40: {  	[tilespmem:s18], [sflag:$0x1] =	stream.indirect.gather [hbm4b:s4+s17], $0x80, s6, s17, $0xb8;
	[tilespmem:$0x1E800] =	vst v63  }
0x41: {  	s7 =	simm.s32 $0x1480  }
0x42: {  	[spmem:s2] =	stream.indirect.scatter.add.f32 [tilespmem:s26], [sflag:$0x3], $0x80, s7, s17, $0xb8;
	[tilespmem:$0x1E800] =	vst v63  }
0x43: {  	_ =	swait.ge [sflag:s15], $0x4000  }
0x44: {  	s0 =	simm.s32 $0x400;
	[sflag:s15] =	ssyncset.done $0x0  }
.LBB2_2:
0x45: {  	p3 =	sne.s32 s0, $0x4800  }
0x46: {  	[sflag:s15] =	ssyncadd.s32 $0xFFFFC000;
	s6 =	smov.u32 s0;
	s0 =	sadd.s32 $0x400, s0  }
0x47: {  	_ = 	snop  }
0x48: {  	_ =	swait.ge [sflag:s25], $0x4000  }
0x49: {  	s6 =	sshra.s32 s6, $0x2;
	[sflag:s25] =	ssyncset.done $0x0  }
0x4a: {  	s7 =	sadd.s32 $0x80, s6;
	[sflag:s25] =	ssyncadd.s32 $0xFFFFC000  }
0x4b: {  	[tilespmem:s26], [sflag:$0x2] =	stream.indirect.gather [hbm4b:s4+s17], $0x80, s7, s17, $0xb8;
	[tilespmem:$0x1E800] =	vst v63  }
0x4c: {  	s7 =	sadd.s32 $0x1400, s6  }
0x4d: {  	[spmem:s2] =	stream.indirect.scatter.add.f32 [tilespmem:s18], [sflag:$0x3], $0x80, s7, s17, $0xb8;
	[tilespmem:$0x1E800] =	vst v63  }
0x4e: {  	_ =	swait.ge [sflag:s15], $0x4000  }
0x4f: {  	[sflag:s15] =	ssyncset.done $0x0  }
0x50: {  	[sflag:s15] =	ssyncadd.s32 $0xFFFFC000  }
0x51: {  	_ =	swait.ge [sflag:s28], $0x4000  }
0x52: {  	[sflag:s28] =	ssyncset.done $0x0  }
0x53: {  	s7 =	sadd.s32 $0x100, s6;
	[sflag:s28] =	ssyncadd.s32 $0xFFFFC000  }
0x54: {  	[tilespmem:s18], [sflag:$0x1] =	stream.indirect.gather [hbm4b:s4+s17], $0x80, s7, s17, $0xb8;
	[tilespmem:$0x1E800] =	vst v63  }
.Ltmp0:
0x55: {  	_ = 	snop;
	(pc) =	sbr.rel @p3 .LBB2_2-.Ltmp0, $4  }
0x56: {  	s6 =	sadd.s32 $0x1480, s6  }
0x57: {  	[spmem:s2] =	stream.indirect.scatter.add.f32 [tilespmem:s26], [sflag:$0x3], $0x80, s6, s17, $0xb8;
	[tilespmem:$0x1E800] =	vst v63  }
0x58: {  	_ =	swait.ge [sflag:s15], $0x4000  }
0x59: {  	[sflag:s15] =	ssyncset.done $0x0  }
0x5a: {  	[sflag:s15] =	ssyncadd.s32 $0xFFFFC000  }
0x5b: {  	_ =	swait.ge [sflag:s25], $0x4000  }
0x5c: {  	[sflag:s25] =	ssyncset.done $0x0  }
0x5d: {  	[sflag:s25] =	ssyncadd.s32 $0xFFFFC000  }
0x5e: {  	[tilespmem:s26], [sflag:$0x2] =	stream.indirect.gather [hbm4b:s4+s17], $0x80, s29, s17, $0xb8;
	[tilespmem:$0x1E800] =	vst v63  }
0x5f: {  	_ = 	snop  }
0x60: {  	[spmem:s2] =	stream.indirect.scatter.add.f32 [tilespmem:s18], [sflag:$0x3], $0x80, s30, s17, $0xb8;
	[tilespmem:$0x1E800] =	vst v63  }
0x61: {  	_ =	swait.ge [sflag:s15], $0x4000  }
0x62: {  	[sflag:s15] =	ssyncset.done $0x0  }
0x63: {  	[sflag:s15] =	ssyncadd.s32 $0xFFFFC000  }
0x64: {  	_ =	swait.ge [sflag:s28], $0x4000  }
0x65: {  	[sflag:s28] =	ssyncset.done $0x0  }
0x66: {  	[sflag:s28] =	ssyncadd.s32 $0xFFFFC000  }
0x67: {  	[spmem:s2] =	stream.indirect.scatter.add.f32 [tilespmem:s26], [sflag:$0x3], $0x80, s31, s17, $0xb8;
	[tilespmem:$0x1E800] =	vst v63  }
0x68: {  	_ =	swait.ge [sflag:s15], $0x4000  }
0x69: {  	[sflag:s15] =	ssyncset.done $0x0  }
0x6a: {  	s0 =	simm.s32 $0x0;
	[sflag:s15] =	ssyncadd.s32 $0xFFFFC000  }
0x6b: {  	[tilespmem:s0], [sflag:$0x3] =	stream.linear.gather [hbm4b:s11+s0], $0x1400, $0x38;
	[tilespmem:$0x1E800] =	vst v63  }
0x6c: {  	_ =	swait.ge [sflag:s15], $0x1400  }
0x6d: {  	[sflag:s15] =	ssyncset.done $0x0  }
0x6e: {  	[sflag:s15] =	ssyncadd.s32 $0xFFFFEC00  }
0x6f: {  	[tilespmem:s16], [sflag:$0x3] =	stream.linear.gather [hbm4b:s12+s0], $0x1400, $0x38;
	[tilespmem:$0x1E800] =	vst v63  }
0x70: {  	_ =	swait.ge [sflag:s15], $0x1400  }
0x71: {  	[sflag:s15] =	ssyncset.done $0x0  }
0x72: {  	[sflag:s15] =	ssyncadd.s32 $0xFFFFEC00  }
0x73: {  	[tilespmem:s18], [sflag:$0x1] =	stream.indirect.gather [hbm4b:s4+s17], $0x80, s0, s17, $0xb8;
	[tilespmem:$0x1E800] =	vst v63  }
0x74: {  	_ =	swait.ge [sflag:s25], $0x4000  }
0x75: {  	[sflag:s25] =	ssyncset.done $0x0  }
0x76: {  	s6 =	simm.s32 $0x80;
	[sflag:s25] =	ssyncadd.s32 $0xFFFFC000  }
0x77: {  	[tilespmem:s26], [sflag:$0x2] =	stream.indirect.gather [hbm4b:s4+s17], $0x80, s6, s17, $0xb8;
	[tilespmem:$0x1E800] =	vst v63  }
0x78: {  	s7 =	simm.s32 $0x1400  }
0x79: {  	[spmem:s2] =	stream.indirect.scatter.add.f32 [tilespmem:s18], [sflag:$0x3], $0x80, s7, s17, $0xb8;
	[tilespmem:$0x1E800] =	vst v63  }
0x7a: {  	_ =	swait.ge [sflag:s15], $0x4000  }
0x7b: {  	[sflag:s15] =	ssyncset.done $0x0  }
0x7c: {  	[sflag:s15] =	ssyncadd.s32 $0xFFFFC000  }
0x7d: {  	_ =	swait.ge [sflag:s28], $0x4000  }
0x7e: {  	[sflag:s28] =	ssyncset.done $0x0  }
0x7f: {  	s6 =	simm.s32 $0x100;
	[sflag:s28] =	ssyncadd.s32 $0xFFFFC000  }
0x80: {  	[tilespmem:s18], [sflag:$0x1] =	stream.indirect.gather [hbm4b:s4+s17], $0x80, s6, s17, $0xb8;
	[tilespmem:$0x1E800] =	vst v63  }
0x81: {  	s7 =	simm.s32 $0x1480  }
0x82: {  	[spmem:s2] =	stream.indirect.scatter.add.f32 [tilespmem:s26], [sflag:$0x3], $0x80, s7, s17, $0xb8;
	[tilespmem:$0x1E800] =	vst v63  }
0x83: {  	_ =	swait.ge [sflag:s15], $0x4000  }
0x84: {  	s0 =	simm.s32 $0x400;
	[sflag:s15] =	ssyncset.done $0x0  }
.LBB2_4:
0x85: {  	p3 =	sne.s32 s0, $0x4800  }
0x86: {  	[sflag:s15] =	ssyncadd.s32 $0xFFFFC000;
	s6 =	smov.u32 s0;
	s0 =	sadd.s32 $0x400, s0  }
0x87: {  	_ = 	snop  }
0x88: {  	_ =	swait.ge [sflag:s25], $0x4000  }
0x89: {  	s6 =	sshra.s32 s6, $0x2;
	[sflag:s25] =	ssyncset.done $0x0  }
0x8a: {  	s7 =	sadd.s32 $0x80, s6;
	[sflag:s25] =	ssyncadd.s32 $0xFFFFC000  }
0x8b: {  	[tilespmem:s26], [sflag:$0x2] =	stream.indirect.gather [hbm4b:s4+s17], $0x80, s7, s17, $0xb8;
	[tilespmem:$0x1E800] =	vst v63  }
0x8c: {  	s7 =	sadd.s32 $0x1400, s6  }
0x8d: {  	[spmem:s2] =	stream.indirect.scatter.add.f32 [tilespmem:s18], [sflag:$0x3], $0x80, s7, s17, $0xb8;
	[tilespmem:$0x1E800] =	vst v63  }
0x8e: {  	_ =	swait.ge [sflag:s15], $0x4000  }
0x8f: {  	[sflag:s15] =	ssyncset.done $0x0  }
0x90: {  	[sflag:s15] =	ssyncadd.s32 $0xFFFFC000  }
0x91: {  	_ =	swait.ge [sflag:s28], $0x4000  }
0x92: {  	[sflag:s28] =	ssyncset.done $0x0  }
0x93: {  	s7 =	sadd.s32 $0x100, s6;
	[sflag:s28] =	ssyncadd.s32 $0xFFFFC000  }
0x94: {  	[tilespmem:s18], [sflag:$0x1] =	stream.indirect.gather [hbm4b:s4+s17], $0x80, s7, s17, $0xb8;
	[tilespmem:$0x1E800] =	vst v63  }
.Ltmp1:
0x95: {  	_ = 	snop;
	(pc) =	sbr.rel @p3 .LBB2_4-.Ltmp1, $4  }
0x96: {  	s6 =	sadd.s32 $0x1480, s6  }
0x97: {  	[spmem:s2] =	stream.indirect.scatter.add.f32 [tilespmem:s26], [sflag:$0x3], $0x80, s6, s17, $0xb8;
	[tilespmem:$0x1E800] =	vst v63  }
0x98: {  	_ =	swait.ge [sflag:s15], $0x4000  }
0x99: {  	[sflag:s15] =	ssyncset.done $0x0  }
0x9a: {  	[sflag:s15] =	ssyncadd.s32 $0xFFFFC000  }
0x9b: {  	_ =	swait.ge [sflag:s25], $0x4000  }
0x9c: {  	[sflag:s25] =	ssyncset.done $0x0  }
0x9d: {  	[sflag:s25] =	ssyncadd.s32 $0xFFFFC000  }
0x9e: {  	[tilespmem:s26], [sflag:$0x2] =	stream.indirect.gather [hbm4b:s4+s17], $0x80, s29, s17, $0xb8;
	[tilespmem:$0x1E800] =	vst v63  }
0x9f: {  	_ = 	snop  }
0xa0: {  	[spmem:s2] =	stream.indirect.scatter.add.f32 [tilespmem:s18], [sflag:$0x3], $0x80, s30, s17, $0xb8;
	[tilespmem:$0x1E800] =	vst v63  }
0xa1: {  	_ =	swait.ge [sflag:s15], $0x4000  }
0xa2: {  	[sflag:s15] =	ssyncset.done $0x0  }
0xa3: {  	[sflag:s15] =	ssyncadd.s32 $0xFFFFC000  }
0xa4: {  	_ =	swait.ge [sflag:s28], $0x4000  }
0xa5: {  	[sflag:s28] =	ssyncset.done $0x0  }
0xa6: {  	[sflag:s28] =	ssyncadd.s32 $0xFFFFC000  }
0xa7: {  	[spmem:s2] =	stream.indirect.scatter.add.f32 [tilespmem:s26], [sflag:$0x3], $0x80, s31, s17, $0xb8;
	[tilespmem:$0x1E800] =	vst v63  }
0xa8: {  	s0 =	stileid.u32;
	_ =	swait.ge [sflag:s15], $0x4000  }
0xa9: {  	s6 =	sshrl.u32 s8, $0x3;
	s1 =	sadd.s32 $0x1, s1;
	[sflag:s15] =	ssyncset.done $0x0  }
0xaa: {  	s0 =	sshll.u32 s0, $0x6;
	p3 =	sne.s32 s1, s14;
	[sflag:s15] =	ssyncadd.s32 $0xFFFFC000  }
.Ltmp2:
0xab: {  	s0 =	sor.u32 $0x1C03, s0;
	[bflag:$0x0] =	sbarrier.arrive $0xFFFF;
	(pc) =	sbr.rel @p3 .LBB2_1-.Ltmp2, $4  }
0xac: {  	[hbm:s13], [sflag:s0] =	dma.local [spmem:s6], $0x2800  }
0xad: {  	_ =	swait.ge [sflag:s15], $0x2800  }
0xae: {  	[sflag:s15] =	ssyncset.done $0x0  }
0xaf: {  	[sflag:s15] =	ssyncadd.s32 $0xFFFFD800  }
0xb0: {  	_ =	sfence.sel $0x180000  }
0xb1: {  	[bflag:$0x0] =	sbarrier.arrive $0xFFFF  }
0xb2: {  	_ =	strace $0x9000004A  }
0xb3: {  	s0 =	stileid.u32;
	[bflag:$0x2] =	sbarrier.arrive $0xFFFF  }
0xb4: {  	p0 =	sne.s32 s0, $0x0;
	s0 =	rddreg [dreg:$0x2]  }
0xb5: {  	s0 =	sadd.s32 @!p0 $0x100000, s0  }
0xb6: {  	[sflag:s0] =	ssyncadd.tile.s32 @!p0 $0x1;
	_ =	shalt  }
.Lfunc_end2:
_tile_overlayer_lowered:
.L_overlay_start_2:
0xb7: {  	(tag) =	ssettag $0x2  }
0xb8: {  	s0 =	rddreg [dreg:$0x0];
	s2 =	stileid.u32  }
0xb9: {  	s1 =	rddreg [dreg:$0x1];
	p0 =	sne.s32 s2, $0x0  }
0xba: {  	s3 =	rddreg [dreg:$0x2];
	[bflag:$0x3] =	sbarrier.arrive $0xFFFF;
	s2 =	simm.s32 @!p0 $0x1C03  }
0xbb: {  	[timem:s3], [sflag:s2] =	dma.local @!p0 [hbm:s0], s1  }
0xbc: {  	s0 =	simm.s32 @!p0 $0x3  }
0xbd: {  	_ =	swait.ge @!p0 [sflag:s0], s1  }
0xbe: {  	s1 =	ssub.s32 @!p0 $0x0, s1;
	[sflag:s0] =	ssyncset.done @!p0 $0x0  }
0xbf: {  	[sflag:s0] =	ssyncadd.s32 @!p0 s1  }
0xc0: {  	[bflag:$0x3] =	sbarrier.arrive $0xFFFF  }
0xc1: {  	_ =	shalt  }

// kernel: kernel.14.cloned.1.call-start
scs
__scs_entry_jumppad:
0x0: {  	(pc) =	sbr.rel $0x88, $3  }
0x1: {  	(tag) =	ssettag $0x0;
	lr =	simm.s32 $0x1  }
0x2: {  	[smem:$0x3F98] =	sst lr;
	_ =	strace $0xD0000000  }
0x3: {  	_ = 	snop  }
0x4: {  	_ = 	snop  }
0x5: {  	_ = 	snop  }
0x6: {  	_ = 	snop  }
0x7: {  	_ = 	snop  }
__scs_overlays_trampoline_lowered:
0x8: {  	[smem:$0x3FA7] =	sst s0  }
0x9: {  	[smem:$0x3FA8] =	sst s1  }
0xa: {  	[smem:$0x3FA9] =	sst s2  }
0xb: {  	[smem:$0x3FAA] =	sst s3  }
0xc: {  	[smem:$0x3FAB] =	sst s4  }
0xd: {  	[smem:$0x3FAC] =	sst s5  }
0xe: {  	[smem:$0x3FAD] =	sst s6  }
0xf: {  	[smem:$0x3FAE] =	sst s7  }
0x10: {  	[smem:$0x3FAF] =	sst s8  }
0x11: {  	[smem:$0x3FB0] =	sst s9;
	s0 =	simm.s32 @!p0 $0x0  }
0x12: {  	s1 =	sld [smem:$0x3F96];
	s0 =	simm.s32 @p0 $0x1  }
0x13: {  	[smem:$0x3FB1] =	sst s0;
	s0 =	simm.s32 @!p1 $0x0  }
0x14: {  	s2 =	sld [smem:$0x3F95];
	s0 =	simm.s32 @p1 $0x1  }
0x15: {  	[smem:$0x3FB2] =	sst s0;
	s0 =	simm.s32 @!p2 $0x0  }
0x16: {  	s3 =	sld [smem:$0x3FDB];
	s0 =	simm.s32 @p2 $0x1  }
0x17: {  	s4 =	simm.s32 $0x1BF5;
	[smem:$0x3FB4] =	sst s0  }
0x18: {  	s0 =	sld [smem:$0x3F97];
	_ =	swait.ge [sflag:s4], $0x0  }
0x19: {  	s7 =	sld [smem:$0x3F98]  }
0x1a: {  	s8 =	sadd.s32 $0xFFFFE003, lr  }
0x1b: {  	s9 =	sadd.s32 $0xFFFFFEF7, lr;
	s5 =	simm.s32 $0xFFFFFFFF;
	p2 =	slt.u32 s8, $0xFFFFF086  }
0x1c: {  	p1 =	slt.u32 s9, $0xF7A;
	s5 =	simm.s32 @!p2 $0x0  }
0x1d: {  	s5 =	simm.s32 @p1 $0x1;
	p0 =	seq.s32 s7, s2  }
0x1e: {  	s7 =	smul.u32 @!p0 $0xF7A, s2;
	p2 =	seq.s32 @!p0 s5, $0x0  }
0x1f: {  	s9 =	smul.u32 $0xF7A, s1;
	s8 =	simm.s32 @!p0 $0x1BF5;
	p2 =	por !p2, p0  }
0x20: {  	[sflag:s8] =	ssyncset.s32 @!p0 $0xFFFFF086;
	s6 =	sadd.s32 @!p0 s3, s7;
	s7 =	simm.s32 @!p0 $0x108  }
0x21: {  	s3 =	sadd.s32 s3, s9;
	s6 =	sadd.s32 @!p0 $0x88, s6;
	s7 =	simm.s32 @p2 $0x1082  }
0x22: {  	[simem:s7], [sflag:s8] =	dma.local @!p0 [hbm:s6], $0xF7A  }
0x23: {  	s9 =	sor.u32 $0xD0000000, s2;
	s6 =	simm.s32 $0x108;
	_ =	swait.ge @!p0 [sflag:s8], $0x0  }
0x24: {  	s3 =	sadd.s32 $0x88, s3;
	s6 =	simm.s32 @!p1 $0x1082;
	[sflag:s4] =	ssyncset.s32 $0xFFFFF086  }
0x25: {  	[simem:s6], [sflag:s4] =	dma.local [hbm:s3], $0xF7A  }
0x26: {  	[smem:$0x3F98] =	sst s1;
	(tag) =	ssettag s2;
	_ =	strace s9  }
0x27: {  	s1 =	sld [smem:$0x3FA8]  }
0x28: {  	s2 =	sld [smem:$0x3FA9]  }
0x29: {  	s4 =	sld [smem:$0x3FAB]  }
0x2a: {  	p0 =	seq.s32 s5, $0x0;
	s5 =	sld [smem:$0x3FAC]  }
0x2b: {  	s6 =	sld [smem:$0x3FAD]  }
0x2c: {  	s7 =	sld [smem:$0x3FAE]  }
0x2d: {  	s3 =	simm.s32 $0x108;
	s8 =	sld [smem:$0x3FAF]  }
0x2e: {  	s3 =	simm.s32 @!p0 $0x1082;
	s9 =	sld [smem:$0x3FB0]  }
0x2f: {  	lr =	sadd.s32 s0, s3;
	s0 =	sld [smem:$0x3FA7]  }
0x30: {  	s3 =	sld [smem:$0x3FAA]  }
0x31: {  	[smem:$0x3FB3] =	sst s10  }
0x32: {  	s10 =	sld [smem:$0x3FB1];
	_ =	sdelay $0x3  }
0x33: {  	p0 =	seq.s32 s10, $0x1;
	s10 =	sld [smem:$0x3FB3];
	_ =	sdelay $0x3  }
0x34: {  	[smem:$0x3FB3] =	sst s10  }
0x35: {  	s10 =	sld [smem:$0x3FB2];
	_ =	sdelay $0x3  }
0x36: {  	p1 =	seq.s32 s10, $0x1;
	s10 =	sld [smem:$0x3FB3];
	_ =	sdelay $0x3  }
0x37: {  	[smem:$0x3FB3] =	sst s10  }
0x38: {  	s10 =	sld [smem:$0x3FB4]  }
0x39: {  	_ = 	snop;
	(pc) =	sbr.ind lr, $3  }
0x3a: {  	_ = 	snop  }
0x3b: {  	_ = 	snop  }
0x3c: {  	p2 =	seq.s32 s10, $0x1;
	s10 =	sld [smem:$0x3FB3]  }
0x3d: {  	_ =	shalt  }
0x3e: {  	_ =	shalt  }
0x3f: {  	_ =	shalt  }
0x40: {  	_ =	shalt  }
0x41: {  	_ =	shalt  }
0x42: {  	_ =	shalt  }
0x43: {  	_ =	shalt  }
0x44: {  	_ =	shalt  }
0x45: {  	_ =	shalt  }
0x46: {  	_ =	shalt  }
0x47: {  	_ =	shalt  }
0x48: {  	_ =	shalt  }
0x49: {  	_ =	shalt  }
0x4a: {  	_ =	shalt  }
0x4b: {  	_ =	shalt  }
0x4c: {  	_ =	shalt  }
0x4d: {  	_ =	shalt  }
0x4e: {  	_ =	shalt  }
0x4f: {  	_ =	shalt  }
0x50: {  	_ =	shalt  }
0x51: {  	_ =	shalt  }
0x52: {  	_ =	shalt  }
0x53: {  	_ =	shalt  }
0x54: {  	_ =	shalt  }
0x55: {  	_ =	shalt  }
0x56: {  	_ =	shalt  }
0x57: {  	_ =	shalt  }
0x58: {  	_ =	shalt  }
0x59: {  	_ =	shalt  }
0x5a: {  	_ =	shalt  }
0x5b: {  	_ =	shalt  }
0x5c: {  	_ =	shalt  }
0x5d: {  	_ =	shalt  }
0x5e: {  	_ =	shalt  }
0x5f: {  	_ =	shalt  }
0x60: {  	_ =	shalt  }
0x61: {  	_ =	shalt  }
0x62: {  	_ =	shalt  }
0x63: {  	_ =	shalt  }
0x64: {  	_ =	shalt  }
0x65: {  	_ =	shalt  }
0x66: {  	_ =	shalt  }
0x67: {  	_ =	shalt  }
0x68: {  	_ =	shalt  }
0x69: {  	_ =	shalt  }
0x6a: {  	_ =	shalt  }
0x6b: {  	_ =	shalt  }
0x6c: {  	_ =	shalt  }
0x6d: {  	_ =	shalt  }
0x6e: {  	_ =	shalt  }
0x6f: {  	_ =	shalt  }
0x70: {  	_ =	shalt  }
0x71: {  	_ =	shalt  }
0x72: {  	_ =	shalt  }
0x73: {  	_ =	shalt  }
0x74: {  	_ =	shalt  }
0x75: {  	_ =	shalt  }
0x76: {  	_ =	shalt  }
0x77: {  	_ =	shalt  }
0x78: {  	_ =	shalt  }
0x79: {  	_ =	shalt  }
0x7a: {  	_ =	shalt  }
0x7b: {  	_ =	shalt  }
0x7c: {  	_ =	shalt  }
0x7d: {  	_ =	shalt  }
0x7e: {  	_ =	shalt  }
0x7f: {  	_ =	shalt  }
0x80: {  	_ =	shalt  }
0x81: {  	_ =	shalt  }
0x82: {  	_ =	shalt  }
0x83: {  	_ =	shalt  }
0x84: {  	_ =	shalt  }
0x85: {  	_ =	shalt  }
0x86: {  	_ =	shalt  }
0x87: {  	_ =	shalt  }
.Lfunc_end0:
.L_simem_size_0:
called_computation.2_lowered:
.L_overlay_start_0:
0x88: {  	s2 =	sld [smem:$0x3FD9]  }
0x89: {  	s3 =	sld [smem:$0x3FFE];
	_ =	sdelay $0x1  }
0x8a: {  	s1 =	srdreg.scid  }
0x8b: {  	s0 =	sand.u32 $0x1, s1  }
0x8c: {  	s16 =	sshll.u32 s0, $0xA;
	s2 =	sadd.s32 s3, s2  }
0x8d: {  	s2 =	sadd.s32 s2, s16  }
0x8e: {  	[smem:$0x3FBF] =	sst s2  }
0x8f: {  	_ = 	snop  }
0x90: {  	(tm) =	ssettm $0x1  }
0x91: {  	s17 =	sld [smem:$0x3FFB];
	_ =	sdelay $0x3  }
0x92: {  	_ =	strace s17  }
0x93: {  	s2 =	sld [smem:$0x3FFC];
	_ =	sdelay $0x3  }
0x94: {  	_ =	strace s2  }
0x95: {  	s2 =	sld [smem:$0x3FFD];
	_ =	sdelay $0x3  }
0x96: {  	_ =	strace s2  }
0x97: {  	_ =	strace $0x8FFFFFFF  }
0x98: {  	s18 =	sld [smem:$0x3FDB];
	_ =	sdelay $0x1  }
0x99: {  	s19 =	simm.s32 $_scs_section_size  }
0x9a: {  	s4 =	simm.s32 $_size__tile_overlayer_lowered;
	s5 =	simm.s32 $_tile_overlayer_lowered  }
0x9b: {  	s22 =	simm.s32 $0x1BFF;
	s21 =	sshll.u32 s5, $0x1;
	s2 =	sadd.s32 s19, s18  }
0x9c: {  	s6 =	simm.s32 $0x0;
	s20 =	sshll.u32 s4, $0x1;
	s4 =	sadd.s32 s21, s2  }
0x9d: {  	[timem:s6], [sflag:s22] =	dma.local [hbm:s4], s20  }
0x9e: {  	_ =	swait.ge [sflag:s22], s20  }
0x9f: {  	s3 =	ssub.s32 $0x0, s20;
	[sflag:s22] =	ssyncset.done $0x0  }
0xa0: {  	[sflag:s22] =	ssyncadd.s32 s3;
	_ =	sdelay $0x1  }
0xa1: {  	s23 =	simm.s32 $0x1B8B  }
0xa2: {  	_ =	swait.ge [sflag:s23], $0x1  }
0xa3: {  	[sflag:s23] =	ssyncset.done $0x0  }
0xa4: {  	s25 =	simm.s32 $0x1B8E;
	s24 =	sld [smem:$0x3FFE];
	[sflag:s23] =	ssyncadd.s32 $0xFFFFFFFF  }
0xa5: {  	s26 =	simm.s32 $execute0_lowered;
	[smem:$0x3FD2] =	sst s25  }
0xa6: {  	s4 =	sshll.u32 s26, $0x1;
	_ =	strace $0x8000004C;
	[dreg:$0x1] =	wrdreg $0xFFFFFFFF  }
0xa7: {  	s28 =	simm.s32 $_size_execute0_lowered;
	s2 =	sadd.s32 s2, s4;
	[dreg:$0x0] =	wrdreg $0x0  }
0xa8: {  	s4 =	sshll.u32 s28, $0x1;
	[dreg:$0x2] =	wrdreg s2  }
0xa9: {  	[dreg:$0x3] =	wrdreg s4  }
0xaa: {  	[dreg:$0x4] =	wrdreg $0xC0  }
0xab: {  	_ =	task [dreg:s6], $0x5FFFF  }
0xac: {  	[dreg:$0x1] =	wrdreg $0xFFFFFFFF  }
0xad: {  	[dreg:$0x0] =	wrdreg $0x60  }
0xae: {  	[dreg:$0x2] =	wrdreg s24  }
0xaf: {  	[dreg:$0x3] =	wrdreg $0xA8000  }
0xb0: {  	[dreg:$0x4] =	wrdreg $0x9  }
0xb1: {  	_ =	task.clear_ibuf [dreg:s6], $0x5FFFF;
	_ =	strace $0x9000004C  }
0xb2: {  	s29 =	simm.s32 $0x9;
	_ =	strace $0x8000004E  }
0xb3: {  	_ =	swait.ge [sflag:s29], $0x1  }
0xb4: {  	[sflag:s29] =	ssyncadd.s32 $0xFFFFFFFF  }
0xb5: {  	_ =	strace $0x9000004E  }
0xb6: {  	_ =	sfence  }
0xb7: {  	s30 =	sld [smem:$0x0];
	_ =	sdelay $0x2  }
0xb8: {  	s31 =	sshll.u32 s1, $0xD;
	s1 =	sshrl.u32 s1, $0x2  }
0xb9: {  	s3 =	sand.u32 $0x4000, s31;
	s1 =	sadd.s32 s1, s30  }
0xba: {  	s0 =	sor.u32 s3, s0;
	s1 =	sshll.u32 s1, $0x11  }
0xbb: {  	s0 =	sor.u32 s1, s0  }
0xbc: {  	s0 =	sadd.s32 $0x8F2B, s0  }
0xbd: {  	[sflag:s0] =	ssyncadd.remote.s32 $0x1  }
0xbe: {  	_ =	sfence.sel $0xFFFF  }
0xbf: {  	[dreg:$0x0] =	wrdreg $0xFFFFFFFF;
	(pc) =	sbr.abs _section_cstart, $3  }
0xc0: {  	[dreg:$0x1] =	wrdreg $0xFFFFFFFF  }
0xc1: {  	_ =	task.clear_ibuf [dreg:s6], $0x2FFFF;
	_ =	strace $0x9FFFFFFF  }
0xc2: {  	(tm) =	ssettm $0x7FFFFFFF  }
0xc3: {  	_ =	shalt  }
tec
execute0_lowered:
.L_overlay_start_1:
0x0: {  	(tag) =	ssettag $0x1  }
0x1: {  	s0 =	srdreg.scid;
	s9 =	rddreg [dreg:$0x0]  }
0x2: {  	s23 =	stileid.u32;
	s2 =	rddreg [dreg:$0x1]  }
0x3: {  	s3 =	simm.s32 $0x0;
	s15 =	simm.s32 $0x3;
	s16 =	simm.s32 $0x1400  }
0x4: {  	s17 =	simm.s32 $0x80;
	s18 =	simm.s32 $0x2800;
	s28 =	simm.s32 $0x2  }
0x5: {  	s29 =	simm.s32 $0x1380;
	s30 =	simm.s32 $0x2700;
	s31 =	simm.s32 $0x2780  }
0x6: {  	s0 =	sand.u32 $0x1, s0;
	[smem:$0x7FF] =	sst s3;
	s6 =	smul.u32 $0x14000, s23  }
0x7: {  	s4 =	sadd.s32 $0x16600, s9;
	p0 =	sne.s32 s23, $0xF;
	s25 =	smul.u32 $0x50000, s23  }
0x8: {  	p2 =	seq.s32 s23, $0xF;
	s10 =	smul.u32 $0x2800, s23;
	s21 =	sadd.s32 $0x12C000, s2  }
0x9: {  	s1 =	sshll.u32 s0, $0x4;
	s5 =	smul.u32 $0x140000, s0;
	_ =	strace $0x8000004D  }
0xa: {  	s22 =	ssub.s32 $0x2, s0;
	p1 =	seq.s32 s0, $0x0;
	s1 =	sor.u32 s23, s1  }
0xb: {  	s8 =	sshrl.u32 s22, $0x1;
	p0 =	por !p1, !p0;
	p1 =	por !p1, !p2  }
0xc: {  	s10 =	sadd.s32 s4, s10;
	s1 =	smul.u32 $0x2800, s1;
	s5 =	sadd.s32 s6, s5  }
0xd: {  	s14 =	ssub.s32 s22, s8;
	p0 =	por !p0, !p0;
	p2 =	por !p1, !p1  }
0xe: {  	s8 =	sshrl.u32 s25, $0x2;
	s22 =	sadd.s32 $0x138800, s2;
	s25 =	simm.s32 $0x1  }
0xf: {  	s7 =	sshrl.u32 s5, $0x3;
	s5 =	sadd.s32 $0x3D800, s9;
	s8 =	sadd.s32 s8, s2  }
0x10: {  	p1 =	por p2, p0;
	s14 =	smax.u32 s14, $0x1;
	s1 =	sshrl.u32 s1, $0x3  }
0x11: {  	s13 =	sadd.s32 s7, s9;
	p1 =	seq.s32 @!p1 s0, $0x0;
	s1 =	sadd.s32 s1, s9  }
0x12: {  	s9 =	sadd.s32 $0x3BE00, s9;
	s13 =	sadd.s32 $0x40000, s13;
	p1 =	por @!p0 p1, p2  }
0x13: {  	p2 =	por !p2, p0;
	s24 =	sadd.s32 $0x2600, s1;
	s26 =	sadd.s32 $0xC600, s1  }
0x14: {  	s11 =	sadd.s32 $0x2880, s1;
	s12 =	sadd.s32 $0xC880, s1;
	p1 =	por p1, p0  }
0x15: {  	s21 =	sshrl.u32 @!p2 s21, $0x3;
	s22 =	sshrl.u32 @!p2 s22, $0x3;
	[dreg:$0x3] =	wrdreg s24  }
0x16: {  	s1 =	simm.s32 $0x0;
	[dreg:$0x4] =	wrdreg s26;
	s0 =	sshll.u32 @!p1 s23, $0x6  }
0x17: {  	s20 =	sshrl.u32 @!p1 s8, $0x3;
	s19 =	sor.u32 @!p1 $0x1C03, s0;
	s0 =	sshll.u32 @p0 s23, $0x6  }
0x18: {  	s24 =	sshrl.u32 @p0 s8, $0x3;
	s26 =	simm.s32 $0x6800;
	s23 =	sor.u32 @p0 $0x1C03, s0  }
.LBB2_1:
0x19: {  	s0 =	rddreg [dreg:$0x3]  }
0x1a: {  	[tilespmem:s3], [sflag:$0x3] =	stream.linear.gather [hbm4b:s0+s3], $0x1400, $0x38;
	[tilespmem:$0x1E800] =	vst v63  }
0x1b: {  	_ =	swait.ge [sflag:s15], $0x1400  }
0x1c: {  	[sflag:s15] =	ssyncset.done $0x0  }
0x1d: {  	s7 =	rddreg [dreg:$0x4];
	[sflag:s15] =	ssyncadd.s32 $0xFFFFEC00  }
0x1e: {  	[tilespmem:s16], [sflag:$0x3] =	stream.linear.gather [hbm4b:s7+s3], $0x1400, $0x38;
	[tilespmem:$0x1E800] =	vst v63  }
0x1f: {  	_ =	swait.ge [sflag:s15], $0x1400  }
0x20: {  	[sflag:s15] =	ssyncset.done $0x0  }
0x21: {  	s0 =	simm.s32 @!p1 $0x3;
	[sflag:s15] =	ssyncadd.s32 $0xFFFFEC00  }
0x22: {  	[tilespmem:s18], [sflag:$0x1] =	stream.indirect.gather [hbm4b:s4+s17], $0x80, s3, s17, $0xb8;
	[tilespmem:$0x1E800] =	vst v63  }
0x23: {  	[spmem:s20], [sflag:s19] =	dma.local @!p1 [hbm:s5], $0x2800  }
0x24: {  	_ =	swait.ge @!p1 [sflag:s0], $0x2800  }
0x25: {  	[sflag:s0] =	ssyncset.done @!p1 $0x0  }
0x26: {  	s6 =	simm.s32 @!p2 $0x3;
	[sflag:s0] =	ssyncadd.s32 @!p1 $0xFFFFD800;
	s0 =	simm.s32 @!p2 $0x1FC3  }
0x27: {  	[spmem:s21], [sflag:s0] =	dma.local @!p2 [hbm:s9], $0x1900  }
0x28: {  	_ =	swait.ge @!p2 [sflag:s6], $0x1900  }
0x29: {  	[sflag:s6] =	ssyncset.done @!p2 $0x0  }
0x2a: {  	[sflag:s6] =	ssyncadd.s32 @!p2 $0xFFFFE700  }
0x2b: {  	[spmem:s22], [sflag:s0] =	dma.local @!p2 [hbm:s5], $0xF00  }
0x2c: {  	_ =	swait.ge @!p2 [sflag:s6], $0xF00  }
0x2d: {  	[sflag:s6] =	ssyncset.done @!p2 $0x0  }
0x2e: {  	s0 =	simm.s32 @p0 $0x3;
	[sflag:s6] =	ssyncadd.s32 @!p2 $0xFFFFF100  }
0x2f: {  	[spmem:s24], [sflag:s23] =	dma.local @p0 [hbm:s10], $0x2800  }
0x30: {  	_ =	swait.ge @p0 [sflag:s0], $0x2800  }
0x31: {  	[sflag:s0] =	ssyncset.done @p0 $0x0  }
0x32: {  	[sflag:s0] =	ssyncadd.s32 @p0 $0xFFFFD800  }
0x33: {  	[bflag:$0x0] =	sbarrier.arrive $0xFFFF  }
0x34: {  	_ =	swait.ge [sflag:s25], $0x4000  }
0x35: {  	[sflag:s25] =	ssyncset.done $0x0  }
0x36: {  	s6 =	simm.s32 $0x80;
	[sflag:s25] =	ssyncadd.s32 $0xFFFFC000  }
0x37: {  	[tilespmem:s26], [sflag:$0x2] =	stream.indirect.gather [hbm4b:s4+s17], $0x80, s6, s17, $0xb8;
	[tilespmem:$0x1E800] =	vst v63  }
0x38: {  	s7 =	simm.s32 $0x1400  }
0x39: {  	[spmem:s2] =	stream.indirect.scatter.add.f32 [tilespmem:s18], [sflag:$0x3], $0x80, s7, s17, $0xb8;
	[tilespmem:$0x1E800] =	vst v63  }
0x3a: {  	_ =	swait.ge [sflag:s15], $0x4000  }
0x3b: {  	[sflag:s15] =	ssyncset.done $0x0  }
0x3c: {  	[sflag:s15] =	ssyncadd.s32 $0xFFFFC000  }
0x3d: {  	_ =	swait.ge [sflag:s28], $0x4000  }
0x3e: {  	[sflag:s28] =	ssyncset.done $0x0  }
0x3f: {  	s6 =	simm.s32 $0x100;
	[sflag:s28] =	ssyncadd.s32 $0xFFFFC000  }
0x40: {  	[tilespmem:s18], [sflag:$0x1] =	stream.indirect.gather [hbm4b:s4+s17], $0x80, s6, s17, $0xb8;
	[tilespmem:$0x1E800] =	vst v63  }
0x41: {  	s7 =	simm.s32 $0x1480  }
0x42: {  	[spmem:s2] =	stream.indirect.scatter.add.f32 [tilespmem:s26], [sflag:$0x3], $0x80, s7, s17, $0xb8;
	[tilespmem:$0x1E800] =	vst v63  }
0x43: {  	_ =	swait.ge [sflag:s15], $0x4000  }
0x44: {  	s0 =	simm.s32 $0x400;
	[sflag:s15] =	ssyncset.done $0x0  }
.LBB2_2:
0x45: {  	p3 =	sne.s32 s0, $0x4800  }
0x46: {  	[sflag:s15] =	ssyncadd.s32 $0xFFFFC000;
	s6 =	smov.u32 s0;
	s0 =	sadd.s32 $0x400, s0  }
0x47: {  	_ = 	snop  }
0x48: {  	_ =	swait.ge [sflag:s25], $0x4000  }
0x49: {  	s6 =	sshra.s32 s6, $0x2;
	[sflag:s25] =	ssyncset.done $0x0  }
0x4a: {  	s7 =	sadd.s32 $0x80, s6;
	[sflag:s25] =	ssyncadd.s32 $0xFFFFC000  }
0x4b: {  	[tilespmem:s26], [sflag:$0x2] =	stream.indirect.gather [hbm4b:s4+s17], $0x80, s7, s17, $0xb8;
	[tilespmem:$0x1E800] =	vst v63  }
0x4c: {  	s7 =	sadd.s32 $0x1400, s6  }
0x4d: {  	[spmem:s2] =	stream.indirect.scatter.add.f32 [tilespmem:s18], [sflag:$0x3], $0x80, s7, s17, $0xb8;
	[tilespmem:$0x1E800] =	vst v63  }
0x4e: {  	_ =	swait.ge [sflag:s15], $0x4000  }
0x4f: {  	[sflag:s15] =	ssyncset.done $0x0  }
0x50: {  	[sflag:s15] =	ssyncadd.s32 $0xFFFFC000  }
0x51: {  	_ =	swait.ge [sflag:s28], $0x4000  }
0x52: {  	[sflag:s28] =	ssyncset.done $0x0  }
0x53: {  	s7 =	sadd.s32 $0x100, s6;
	[sflag:s28] =	ssyncadd.s32 $0xFFFFC000  }
0x54: {  	[tilespmem:s18], [sflag:$0x1] =	stream.indirect.gather [hbm4b:s4+s17], $0x80, s7, s17, $0xb8;
	[tilespmem:$0x1E800] =	vst v63  }
.Ltmp0:
0x55: {  	_ = 	snop;
	(pc) =	sbr.rel @p3 .LBB2_2-.Ltmp0, $4  }
0x56: {  	s6 =	sadd.s32 $0x1480, s6  }
0x57: {  	[spmem:s2] =	stream.indirect.scatter.add.f32 [tilespmem:s26], [sflag:$0x3], $0x80, s6, s17, $0xb8;
	[tilespmem:$0x1E800] =	vst v63  }
0x58: {  	_ =	swait.ge [sflag:s15], $0x4000  }
0x59: {  	[sflag:s15] =	ssyncset.done $0x0  }
0x5a: {  	[sflag:s15] =	ssyncadd.s32 $0xFFFFC000  }
0x5b: {  	_ =	swait.ge [sflag:s25], $0x4000  }
0x5c: {  	[sflag:s25] =	ssyncset.done $0x0  }
0x5d: {  	[sflag:s25] =	ssyncadd.s32 $0xFFFFC000  }
0x5e: {  	[tilespmem:s26], [sflag:$0x2] =	stream.indirect.gather [hbm4b:s4+s17], $0x80, s29, s17, $0xb8;
	[tilespmem:$0x1E800] =	vst v63  }
0x5f: {  	_ = 	snop  }
0x60: {  	[spmem:s2] =	stream.indirect.scatter.add.f32 [tilespmem:s18], [sflag:$0x3], $0x80, s30, s17, $0xb8;
	[tilespmem:$0x1E800] =	vst v63  }
0x61: {  	_ =	swait.ge [sflag:s15], $0x4000  }
0x62: {  	[sflag:s15] =	ssyncset.done $0x0  }
0x63: {  	[sflag:s15] =	ssyncadd.s32 $0xFFFFC000  }
0x64: {  	_ =	swait.ge [sflag:s28], $0x4000  }
0x65: {  	[sflag:s28] =	ssyncset.done $0x0  }
0x66: {  	[sflag:s28] =	ssyncadd.s32 $0xFFFFC000  }
0x67: {  	[spmem:s2] =	stream.indirect.scatter.add.f32 [tilespmem:s26], [sflag:$0x3], $0x80, s31, s17, $0xb8;
	[tilespmem:$0x1E800] =	vst v63  }
0x68: {  	_ =	swait.ge [sflag:s15], $0x4000  }
0x69: {  	[sflag:s15] =	ssyncset.done $0x0  }
0x6a: {  	s0 =	simm.s32 $0x0;
	[sflag:s15] =	ssyncadd.s32 $0xFFFFC000  }
0x6b: {  	[tilespmem:s0], [sflag:$0x3] =	stream.linear.gather [hbm4b:s11+s0], $0x1400, $0x38;
	[tilespmem:$0x1E800] =	vst v63  }
0x6c: {  	_ =	swait.ge [sflag:s15], $0x1400  }
0x6d: {  	[sflag:s15] =	ssyncset.done $0x0  }
0x6e: {  	[sflag:s15] =	ssyncadd.s32 $0xFFFFEC00  }
0x6f: {  	[tilespmem:s16], [sflag:$0x3] =	stream.linear.gather [hbm4b:s12+s0], $0x1400, $0x38;
	[tilespmem:$0x1E800] =	vst v63  }
0x70: {  	_ =	swait.ge [sflag:s15], $0x1400  }
0x71: {  	[sflag:s15] =	ssyncset.done $0x0  }
0x72: {  	[sflag:s15] =	ssyncadd.s32 $0xFFFFEC00  }
0x73: {  	[tilespmem:s18], [sflag:$0x1] =	stream.indirect.gather [hbm4b:s4+s17], $0x80, s0, s17, $0xb8;
	[tilespmem:$0x1E800] =	vst v63  }
0x74: {  	_ =	swait.ge [sflag:s25], $0x4000  }
0x75: {  	[sflag:s25] =	ssyncset.done $0x0  }
0x76: {  	s6 =	simm.s32 $0x80;
	[sflag:s25] =	ssyncadd.s32 $0xFFFFC000  }
0x77: {  	[tilespmem:s26], [sflag:$0x2] =	stream.indirect.gather [hbm4b:s4+s17], $0x80, s6, s17, $0xb8;
	[tilespmem:$0x1E800] =	vst v63  }
0x78: {  	s7 =	simm.s32 $0x1400  }
0x79: {  	[spmem:s2] =	stream.indirect.scatter.add.f32 [tilespmem:s18], [sflag:$0x3], $0x80, s7, s17, $0xb8;
	[tilespmem:$0x1E800] =	vst v63  }
0x7a: {  	_ =	swait.ge [sflag:s15], $0x4000  }
0x7b: {  	[sflag:s15] =	ssyncset.done $0x0  }
0x7c: {  	[sflag:s15] =	ssyncadd.s32 $0xFFFFC000  }
0x7d: {  	_ =	swait.ge [sflag:s28], $0x4000  }
0x7e: {  	[sflag:s28] =	ssyncset.done $0x0  }
0x7f: {  	s6 =	simm.s32 $0x100;
	[sflag:s28] =	ssyncadd.s32 $0xFFFFC000  }
0x80: {  	[tilespmem:s18], [sflag:$0x1] =	stream.indirect.gather [hbm4b:s4+s17], $0x80, s6, s17, $0xb8;
	[tilespmem:$0x1E800] =	vst v63  }
0x81: {  	s7 =	simm.s32 $0x1480  }
0x82: {  	[spmem:s2] =	stream.indirect.scatter.add.f32 [tilespmem:s26], [sflag:$0x3], $0x80, s7, s17, $0xb8;
	[tilespmem:$0x1E800] =	vst v63  }
0x83: {  	_ =	swait.ge [sflag:s15], $0x4000  }
0x84: {  	s0 =	simm.s32 $0x400;
	[sflag:s15] =	ssyncset.done $0x0  }
.LBB2_4:
0x85: {  	p3 =	sne.s32 s0, $0x4800  }
0x86: {  	[sflag:s15] =	ssyncadd.s32 $0xFFFFC000;
	s6 =	smov.u32 s0;
	s0 =	sadd.s32 $0x400, s0  }
0x87: {  	_ = 	snop  }
0x88: {  	_ =	swait.ge [sflag:s25], $0x4000  }
0x89: {  	s6 =	sshra.s32 s6, $0x2;
	[sflag:s25] =	ssyncset.done $0x0  }
0x8a: {  	s7 =	sadd.s32 $0x80, s6;
	[sflag:s25] =	ssyncadd.s32 $0xFFFFC000  }
0x8b: {  	[tilespmem:s26], [sflag:$0x2] =	stream.indirect.gather [hbm4b:s4+s17], $0x80, s7, s17, $0xb8;
	[tilespmem:$0x1E800] =	vst v63  }
0x8c: {  	s7 =	sadd.s32 $0x1400, s6  }
0x8d: {  	[spmem:s2] =	stream.indirect.scatter.add.f32 [tilespmem:s18], [sflag:$0x3], $0x80, s7, s17, $0xb8;
	[tilespmem:$0x1E800] =	vst v63  }
0x8e: {  	_ =	swait.ge [sflag:s15], $0x4000  }
0x8f: {  	[sflag:s15] =	ssyncset.done $0x0  }
0x90: {  	[sflag:s15] =	ssyncadd.s32 $0xFFFFC000  }
0x91: {  	_ =	swait.ge [sflag:s28], $0x4000  }
0x92: {  	[sflag:s28] =	ssyncset.done $0x0  }
0x93: {  	s7 =	sadd.s32 $0x100, s6;
	[sflag:s28] =	ssyncadd.s32 $0xFFFFC000  }
0x94: {  	[tilespmem:s18], [sflag:$0x1] =	stream.indirect.gather [hbm4b:s4+s17], $0x80, s7, s17, $0xb8;
	[tilespmem:$0x1E800] =	vst v63  }
.Ltmp1:
0x95: {  	_ = 	snop;
	(pc) =	sbr.rel @p3 .LBB2_4-.Ltmp1, $4  }
0x96: {  	s6 =	sadd.s32 $0x1480, s6  }
0x97: {  	[spmem:s2] =	stream.indirect.scatter.add.f32 [tilespmem:s26], [sflag:$0x3], $0x80, s6, s17, $0xb8;
	[tilespmem:$0x1E800] =	vst v63  }
0x98: {  	_ =	swait.ge [sflag:s15], $0x4000  }
0x99: {  	[sflag:s15] =	ssyncset.done $0x0  }
0x9a: {  	[sflag:s15] =	ssyncadd.s32 $0xFFFFC000  }
0x9b: {  	_ =	swait.ge [sflag:s25], $0x4000  }
0x9c: {  	[sflag:s25] =	ssyncset.done $0x0  }
0x9d: {  	[sflag:s25] =	ssyncadd.s32 $0xFFFFC000  }
0x9e: {  	[tilespmem:s26], [sflag:$0x2] =	stream.indirect.gather [hbm4b:s4+s17], $0x80, s29, s17, $0xb8;
	[tilespmem:$0x1E800] =	vst v63  }
0x9f: {  	_ = 	snop  }
0xa0: {  	[spmem:s2] =	stream.indirect.scatter.add.f32 [tilespmem:s18], [sflag:$0x3], $0x80, s30, s17, $0xb8;
	[tilespmem:$0x1E800] =	vst v63  }
0xa1: {  	_ =	swait.ge [sflag:s15], $0x4000  }
0xa2: {  	[sflag:s15] =	ssyncset.done $0x0  }
0xa3: {  	[sflag:s15] =	ssyncadd.s32 $0xFFFFC000  }
0xa4: {  	_ =	swait.ge [sflag:s28], $0x4000  }
0xa5: {  	[sflag:s28] =	ssyncset.done $0x0  }
0xa6: {  	[sflag:s28] =	ssyncadd.s32 $0xFFFFC000  }
0xa7: {  	[spmem:s2] =	stream.indirect.scatter.add.f32 [tilespmem:s26], [sflag:$0x3], $0x80, s31, s17, $0xb8;
	[tilespmem:$0x1E800] =	vst v63  }
0xa8: {  	s0 =	stileid.u32;
	_ =	swait.ge [sflag:s15], $0x4000  }
0xa9: {  	s6 =	sshrl.u32 s8, $0x3;
	s1 =	sadd.s32 $0x1, s1;
	[sflag:s15] =	ssyncset.done $0x0  }
0xaa: {  	s0 =	sshll.u32 s0, $0x6;
	p3 =	sne.s32 s1, s14;
	[sflag:s15] =	ssyncadd.s32 $0xFFFFC000  }
.Ltmp2:
0xab: {  	s0 =	sor.u32 $0x1C03, s0;
	[bflag:$0x0] =	sbarrier.arrive $0xFFFF;
	(pc) =	sbr.rel @p3 .LBB2_1-.Ltmp2, $4  }
0xac: {  	[hbm:s13], [sflag:s0] =	dma.local [spmem:s6], $0x2800  }
0xad: {  	_ =	swait.ge [sflag:s15], $0x2800  }
0xae: {  	[sflag:s15] =	ssyncset.done $0x0  }
0xaf: {  	[sflag:s15] =	ssyncadd.s32 $0xFFFFD800  }
0xb0: {  	_ =	sfence.sel $0x180000  }
0xb1: {  	[bflag:$0x0] =	sbarrier.arrive $0xFFFF  }
0xb2: {  	_ =	strace $0x9000004D  }
0xb3: {  	s0 =	stileid.u32;
	[bflag:$0x2] =	sbarrier.arrive $0xFFFF  }
0xb4: {  	p0 =	sne.s32 s0, $0x0;
	s0 =	rddreg [dreg:$0x2]  }
0xb5: {  	s0 =	sadd.s32 @!p0 $0x100000, s0  }
0xb6: {  	[sflag:s0] =	ssyncadd.tile.s32 @!p0 $0x1;
	_ =	shalt  }
.Lfunc_end2:
_tile_overlayer_lowered:
.L_overlay_start_2:
0xb7: {  	(tag) =	ssettag $0x2  }
0xb8: {  	s0 =	rddreg [dreg:$0x0];
	s2 =	stileid.u32  }
0xb9: {  	s1 =	rddreg [dreg:$0x1];
	p0 =	sne.s32 s2, $0x0  }
0xba: {  	s3 =	rddreg [dreg:$0x2];
	[bflag:$0x3] =	sbarrier.arrive $0xFFFF;
	s2 =	simm.s32 @!p0 $0x1C03  }
0xbb: {  	[timem:s3], [sflag:s2] =	dma.local @!p0 [hbm:s0], s1  }
0xbc: {  	s0 =	simm.s32 @!p0 $0x3  }
0xbd: {  	_ =	swait.ge @!p0 [sflag:s0], s1  }
0xbe: {  	s1 =	ssub.s32 @!p0 $0x0, s1;
	[sflag:s0] =	ssyncset.done @!p0 $0x0  }
0xbf: {  	[sflag:s0] =	ssyncadd.s32 @!p0 s1  }
0xc0: {  	[bflag:$0x3] =	sbarrier.arrive $0xFFFF  }
0xc1: {  	_ =	shalt  }

// kernel: kernel.8.cloned.1.call-start
scs
__scs_entry_jumppad:
0x0: {  	(pc) =	sbr.rel $0x88, $3  }
0x1: {  	(tag) =	ssettag $0x0;
	lr =	simm.s32 $0x1  }
0x2: {  	[smem:$0x3F98] =	sst lr;
	_ =	strace $0xD0000000  }
0x3: {  	_ = 	snop  }
0x4: {  	_ = 	snop  }
0x5: {  	_ = 	snop  }
0x6: {  	_ = 	snop  }
0x7: {  	_ = 	snop  }
__scs_overlays_trampoline_lowered:
0x8: {  	[smem:$0x3FA7] =	sst s0  }
0x9: {  	[smem:$0x3FA8] =	sst s1  }
0xa: {  	[smem:$0x3FA9] =	sst s2  }
0xb: {  	[smem:$0x3FAA] =	sst s3  }
0xc: {  	[smem:$0x3FAB] =	sst s4  }
0xd: {  	[smem:$0x3FAC] =	sst s5  }
0xe: {  	[smem:$0x3FAD] =	sst s6  }
0xf: {  	[smem:$0x3FAE] =	sst s7  }
0x10: {  	[smem:$0x3FAF] =	sst s8  }
0x11: {  	[smem:$0x3FB0] =	sst s9;
	s0 =	simm.s32 @!p0 $0x0  }
0x12: {  	s1 =	sld [smem:$0x3F96];
	s0 =	simm.s32 @p0 $0x1  }
0x13: {  	[smem:$0x3FB1] =	sst s0;
	s0 =	simm.s32 @!p1 $0x0  }
0x14: {  	s2 =	sld [smem:$0x3F95];
	s0 =	simm.s32 @p1 $0x1  }
0x15: {  	[smem:$0x3FB2] =	sst s0;
	s0 =	simm.s32 @!p2 $0x0  }
0x16: {  	s3 =	sld [smem:$0x3FDB];
	s0 =	simm.s32 @p2 $0x1  }
0x17: {  	s4 =	simm.s32 $0x1BF5;
	[smem:$0x3FB4] =	sst s0  }
0x18: {  	s0 =	sld [smem:$0x3F97];
	_ =	swait.ge [sflag:s4], $0x0  }
0x19: {  	s7 =	sld [smem:$0x3F98]  }
0x1a: {  	s8 =	sadd.s32 $0xFFFFE003, lr  }
0x1b: {  	s9 =	sadd.s32 $0xFFFFFEF7, lr;
	s5 =	simm.s32 $0xFFFFFFFF;
	p2 =	slt.u32 s8, $0xFFFFF086  }
0x1c: {  	p1 =	slt.u32 s9, $0xF7A;
	s5 =	simm.s32 @!p2 $0x0  }
0x1d: {  	s5 =	simm.s32 @p1 $0x1;
	p0 =	seq.s32 s7, s2  }
0x1e: {  	s7 =	smul.u32 @!p0 $0xF7A, s2;
	p2 =	seq.s32 @!p0 s5, $0x0  }
0x1f: {  	s9 =	smul.u32 $0xF7A, s1;
	s8 =	simm.s32 @!p0 $0x1BF5;
	p2 =	por !p2, p0  }
0x20: {  	[sflag:s8] =	ssyncset.s32 @!p0 $0xFFFFF086;
	s6 =	sadd.s32 @!p0 s3, s7;
	s7 =	simm.s32 @!p0 $0x108  }
0x21: {  	s3 =	sadd.s32 s3, s9;
	s6 =	sadd.s32 @!p0 $0x88, s6;
	s7 =	simm.s32 @p2 $0x1082  }
0x22: {  	[simem:s7], [sflag:s8] =	dma.local @!p0 [hbm:s6], $0xF7A  }
0x23: {  	s9 =	sor.u32 $0xD0000000, s2;
	s6 =	simm.s32 $0x108;
	_ =	swait.ge @!p0 [sflag:s8], $0x0  }
0x24: {  	s3 =	sadd.s32 $0x88, s3;
	s6 =	simm.s32 @!p1 $0x1082;
	[sflag:s4] =	ssyncset.s32 $0xFFFFF086  }
0x25: {  	[simem:s6], [sflag:s4] =	dma.local [hbm:s3], $0xF7A  }
0x26: {  	[smem:$0x3F98] =	sst s1;
	(tag) =	ssettag s2;
	_ =	strace s9  }
0x27: {  	s1 =	sld [smem:$0x3FA8]  }
0x28: {  	s2 =	sld [smem:$0x3FA9]  }
0x29: {  	s4 =	sld [smem:$0x3FAB]  }
0x2a: {  	p0 =	seq.s32 s5, $0x0;
	s5 =	sld [smem:$0x3FAC]  }
0x2b: {  	s6 =	sld [smem:$0x3FAD]  }
0x2c: {  	s7 =	sld [smem:$0x3FAE]  }
0x2d: {  	s3 =	simm.s32 $0x108;
	s8 =	sld [smem:$0x3FAF]  }
0x2e: {  	s3 =	simm.s32 @!p0 $0x1082;
	s9 =	sld [smem:$0x3FB0]  }
0x2f: {  	lr =	sadd.s32 s0, s3;
	s0 =	sld [smem:$0x3FA7]  }
0x30: {  	s3 =	sld [smem:$0x3FAA]  }
0x31: {  	[smem:$0x3FB3] =	sst s10  }
0x32: {  	s10 =	sld [smem:$0x3FB1];
	_ =	sdelay $0x3  }
0x33: {  	p0 =	seq.s32 s10, $0x1;
	s10 =	sld [smem:$0x3FB3];
	_ =	sdelay $0x3  }
0x34: {  	[smem:$0x3FB3] =	sst s10  }
0x35: {  	s10 =	sld [smem:$0x3FB2];
	_ =	sdelay $0x3  }
0x36: {  	p1 =	seq.s32 s10, $0x1;
	s10 =	sld [smem:$0x3FB3];
	_ =	sdelay $0x3  }
0x37: {  	[smem:$0x3FB3] =	sst s10  }
0x38: {  	s10 =	sld [smem:$0x3FB4]  }
0x39: {  	_ = 	snop;
	(pc) =	sbr.ind lr, $3  }
0x3a: {  	_ = 	snop  }
0x3b: {  	_ = 	snop  }
0x3c: {  	p2 =	seq.s32 s10, $0x1;
	s10 =	sld [smem:$0x3FB3]  }
0x3d: {  	_ =	shalt  }
0x3e: {  	_ =	shalt  }
0x3f: {  	_ =	shalt  }
0x40: {  	_ =	shalt  }
0x41: {  	_ =	shalt  }
0x42: {  	_ =	shalt  }
0x43: {  	_ =	shalt  }
0x44: {  	_ =	shalt  }
0x45: {  	_ =	shalt  }
0x46: {  	_ =	shalt  }
0x47: {  	_ =	shalt  }
0x48: {  	_ =	shalt  }
0x49: {  	_ =	shalt  }
0x4a: {  	_ =	shalt  }
0x4b: {  	_ =	shalt  }
0x4c: {  	_ =	shalt  }
0x4d: {  	_ =	shalt  }
0x4e: {  	_ =	shalt  }
0x4f: {  	_ =	shalt  }
0x50: {  	_ =	shalt  }
0x51: {  	_ =	shalt  }
0x52: {  	_ =	shalt  }
0x53: {  	_ =	shalt  }
0x54: {  	_ =	shalt  }
0x55: {  	_ =	shalt  }
0x56: {  	_ =	shalt  }
0x57: {  	_ =	shalt  }
0x58: {  	_ =	shalt  }
0x59: {  	_ =	shalt  }
0x5a: {  	_ =	shalt  }
0x5b: {  	_ =	shalt  }
0x5c: {  	_ =	shalt  }
0x5d: {  	_ =	shalt  }
0x5e: {  	_ =	shalt  }
0x5f: {  	_ =	shalt  }
0x60: {  	_ =	shalt  }
0x61: {  	_ =	shalt  }
0x62: {  	_ =	shalt  }
0x63: {  	_ =	shalt  }
0x64: {  	_ =	shalt  }
0x65: {  	_ =	shalt  }
0x66: {  	_ =	shalt  }
0x67: {  	_ =	shalt  }
0x68: {  	_ =	shalt  }
0x69: {  	_ =	shalt  }
0x6a: {  	_ =	shalt  }
0x6b: {  	_ =	shalt  }
0x6c: {  	_ =	shalt  }
0x6d: {  	_ =	shalt  }
0x6e: {  	_ =	shalt  }
0x6f: {  	_ =	shalt  }
0x70: {  	_ =	shalt  }
0x71: {  	_ =	shalt  }
0x72: {  	_ =	shalt  }
0x73: {  	_ =	shalt  }
0x74: {  	_ =	shalt  }
0x75: {  	_ =	shalt  }
0x76: {  	_ =	shalt  }
0x77: {  	_ =	shalt  }
0x78: {  	_ =	shalt  }
0x79: {  	_ =	shalt  }
0x7a: {  	_ =	shalt  }
0x7b: {  	_ =	shalt  }
0x7c: {  	_ =	shalt  }
0x7d: {  	_ =	shalt  }
0x7e: {  	_ =	shalt  }
0x7f: {  	_ =	shalt  }
0x80: {  	_ =	shalt  }
0x81: {  	_ =	shalt  }
0x82: {  	_ =	shalt  }
0x83: {  	_ =	shalt  }
0x84: {  	_ =	shalt  }
0x85: {  	_ =	shalt  }
0x86: {  	_ =	shalt  }
0x87: {  	_ =	shalt  }
.Lfunc_end0:
.L_simem_size_0:
called_computation_lowered:
.L_overlay_start_0:
0x88: {  	s2 =	sld [smem:$0x3FD9]  }
0x89: {  	s3 =	sld [smem:$0x3FFE];
	_ =	sdelay $0x1  }
0x8a: {  	s1 =	srdreg.scid  }
0x8b: {  	s0 =	sand.u32 $0x1, s1  }
0x8c: {  	s17 =	sshll.u32 s0, $0xA;
	s2 =	sadd.s32 s3, s2  }
0x8d: {  	s2 =	sadd.s32 s2, s17  }
0x8e: {  	[smem:$0x3FBF] =	sst s2  }
0x8f: {  	_ = 	snop  }
0x90: {  	s2 =	sld [smem:$0x3FD0];
	(tm) =	ssettm $0x1  }
0x91: {  	s18 =	sld [smem:$0x3FFB];
	_ =	sdelay $0x3  }
0x92: {  	_ =	strace s18  }
0x93: {  	s3 =	sld [smem:$0x3FFC];
	_ =	sdelay $0x3  }
0x94: {  	_ =	strace s3  }
0x95: {  	s3 =	sld [smem:$0x3FFD];
	_ =	sdelay $0x3  }
0x96: {  	_ =	strace s3  }
0x97: {  	_ =	strace $0x8FFFFFFF  }
0x98: {  	s19 =	sld [smem:$0x3FDB];
	_ =	sdelay $0x1  }
0x99: {  	s4 =	simm.s32 $_scs_section_size  }
0x9a: {  	s5 =	simm.s32 $_size__tile_overlayer_lowered;
	s6 =	simm.s32 $_tile_overlayer_lowered  }
0x9b: {  	s22 =	simm.s32 $0x1BFF;
	s21 =	sshll.u32 s6, $0x1;
	s3 =	sadd.s32 s4, s19  }
0x9c: {  	s7 =	simm.s32 $0x0;
	s20 =	sshll.u32 s5, $0x1;
	s5 =	sadd.s32 s21, s3  }
0x9d: {  	[timem:s7], [sflag:s22] =	dma.local [hbm:s5], s20  }
0x9e: {  	_ =	swait.ge [sflag:s22], s20  }
0x9f: {  	s4 =	ssub.s32 $0x0, s20;
	[sflag:s22] =	ssyncset.done $0x0  }
0xa0: {  	[sflag:s22] =	ssyncadd.s32 s4;
	_ =	sdelay $0x1  }
0xa1: {  	s23 =	simm.s32 $0x1B8B  }
0xa2: {  	_ =	swait.ge [sflag:s23], $0x1  }
0xa3: {  	[sflag:s23] =	ssyncset.done $0x0  }
0xa4: {  	s25 =	simm.s32 $0x1B8E;
	s24 =	sld [smem:$0x3FFE];
	[sflag:s23] =	ssyncadd.s32 $0xFFFFFFFF  }
0xa5: {  	s26 =	simm.s32 $execute0_lowered;
	[smem:$0x3FD2] =	sst s25  }
0xa6: {  	s5 =	sshll.u32 s26, $0x1;
	_ =	strace $0x80000046;
	[dreg:$0x1] =	wrdreg $0xFFFFFFFF  }
0xa7: {  	s28 =	simm.s32 $_size_execute0_lowered;
	s3 =	sadd.s32 s3, s5;
	[dreg:$0x0] =	wrdreg $0x0  }
0xa8: {  	s5 =	sshll.u32 s28, $0x1;
	[dreg:$0x2] =	wrdreg s3  }
0xa9: {  	[dreg:$0x3] =	wrdreg s5  }
0xaa: {  	[dreg:$0x4] =	wrdreg $0xC0  }
0xab: {  	_ =	task [dreg:s7], $0x5FFFF  }
0xac: {  	[dreg:$0x1] =	wrdreg $0xFFFFFFFF  }
0xad: {  	[dreg:$0x0] =	wrdreg $0x60  }
0xae: {  	[dreg:$0x2] =	wrdreg s24  }
0xaf: {  	[dreg:$0x3] =	wrdreg s2  }
0xb0: {  	[dreg:$0x4] =	wrdreg $0x28800  }
0xb1: {  	[dreg:$0x5] =	wrdreg $0x9  }
0xb2: {  	_ =	task.clear_ibuf [dreg:s7], $0x6FFFF;
	_ =	strace $0x90000046  }
0xb3: {  	s29 =	simm.s32 $0x9;
	_ =	strace $0x80000048  }
0xb4: {  	_ =	swait.ge [sflag:s29], $0x1  }
0xb5: {  	[sflag:s29] =	ssyncadd.s32 $0xFFFFFFFF  }
0xb6: {  	_ =	strace $0x90000048  }
0xb7: {  	_ =	sfence  }
0xb8: {  	s30 =	sld [smem:$0x0];
	_ =	sdelay $0x2  }
0xb9: {  	s31 =	sshll.u32 s1, $0xD;
	s1 =	sshrl.u32 s1, $0x2  }
0xba: {  	s3 =	sand.u32 $0x4000, s31;
	s1 =	sadd.s32 s1, s30  }
0xbb: {  	s0 =	sor.u32 s3, s0;
	s1 =	sshll.u32 s1, $0x11  }
0xbc: {  	s0 =	sor.u32 s1, s0  }
0xbd: {  	s0 =	sadd.s32 $0x8F2B, s0  }
0xbe: {  	[sflag:s0] =	ssyncadd.remote.s32 $0x1  }
0xbf: {  	_ =	sfence.sel $0xFFFF  }
0xc0: {  	[dreg:$0x0] =	wrdreg $0xFFFFFFFF;
	(pc) =	sbr.abs _section_cstart, $3  }
0xc1: {  	[dreg:$0x1] =	wrdreg $0xFFFFFFFF  }
0xc2: {  	_ =	task.clear_ibuf [dreg:s7], $0x2FFFF;
	_ =	strace $0x9FFFFFFF  }
0xc3: {  	(tm) =	ssettm $0x7FFFFFFF  }
tec
execute0_lowered:
.L_overlay_start_1:
0x0: {  	(tag) =	ssettag $0x1  }
0x1: {  	s5 =	rddreg [dreg:$0x0]  }
0x2: {  	s2 =	rddreg [dreg:$0x1]  }
0x3: {  	s3 =	rddreg [dreg:$0x2];
	s4 =	srdreg.scid  }
0x4: {  	s0 =	rddreg [dreg:$0x3];
	s1 =	stileid.u32;
	s13 =	simm.s32 $0x80  }
0x5: {  	s14 =	simm.s32 $0x100;
	s15 =	simm.s32 $0x180;
	s16 =	simm.s32 $0x200  }
0x6: {  	s17 =	simm.s32 $0x280;
	s18 =	simm.s32 $0x300;
	s19 =	simm.s32 $0x1  }
0x7: {  	s20 =	simm.s32 $0x0;
	s6 =	sand.u32 $0x1, s4;
	s4 =	simm.s32 $0x0  }
0x8: {  	s7 =	smul.u32 $0x280, s1;
	s31 =	sshll.u32 s1, $0x6;
	s8 =	sshll.u32 s6, $0x4  }
0x9: {  	[smem:$0x7FF] =	sst s4;
	s9 =	smul.u32 $0x2800, s6;
	s6 =	ssub.s32 $0x2, s6  }
0xa: {  	s8 =	sor.u32 s1, s8;
	_ =	strace $0x80000047;
	s10 =	sshrl.u32 s7, $0x3  }
0xb: {  	s11 =	sshrl.u32 s6, $0x1;
	s12 =	sadd.s32 s7, s3;
	s8 =	smul.u32 $0x2800, s8  }
0xc: {  	s10 =	sadd.s32 s10, s5;
	s9 =	sadd.s32 s7, s9;
	s11 =	ssub.s32 s6, s11  }
0xd: {  	s12 =	sshrl.u32 s12, $0x3;
	s9 =	sshrl.u32 s9, $0x3;
	s6 =	sadd.s32 $0x16600, s10  }
0xe: {  	s10 =	simm.s32 $0x2800;
	s8 =	sshrl.u32 s8, $0x3;
	s9 =	sadd.s32 s9, s5  }
0xf: {  	s5 =	sadd.s32 s5, s8;
	s7 =	sadd.s32 $0x16C00, s9;
	s8 =	smax.u32 s11, $0x1  }
0x10: {  	s9 =	simm.s32 $0x2;
	s11 =	sor.u32 $0x1C02, s31;
	s5 =	sadd.s32 $0xC600, s5  }
.LBB2_1:
0x11: {  	[tilespmem:s4], [sflag:$0x2] =	stream.linear.gather [hbm4b:s5+s4], $0x2800, $0x38;
	[tilespmem:$0x2B00] =	vst v63  }
0x12: {  	_ =	swait.ge [sflag:s9], $0x2800  }
0x13: {  	[sflag:s9] =	ssyncset.done $0x0  }
0x14: {  	[sflag:s9] =	ssyncadd.s32 $0xFFFFD800  }
0x15: {  	[tilespmem:s10], [sflag:$0x2] =	stream.linear.gather [hbm4b:s2+s4], $0x80, $0x38;
	[tilespmem:$0x2B00] =	vst v63  }
0x16: {  	_ =	swait.ge [sflag:s9], $0x80  }
0x17: {  	[sflag:s9] =	ssyncset.done $0x0  }
0x18: {  	[sflag:s9] =	ssyncadd.s32 $0xFFFFFF80  }
0x19: {  	[spmem:s12], [sflag:s11] =	dma.local [hbm:s6], $0x50  }
0x1a: {  	_ =	swait.ge [sflag:s9], $0x50  }
0x1b: {  	[sflag:s9] =	ssyncset.done $0x0  }
0x1c: {  	[sflag:s9] =	ssyncadd.s32 $0xFFFFFFB0  }
0x1d: {  	[bflag:$0x0] =	sbarrier.arrive $0xFFFF  }
0x1e: {  	[spmem:s3] =	stream.indirect.scatter.add.f32 [tilespmem:s10], [sflag:$0x1], $0x1, s4, s13, $0xb8;
	[tilespmem:$0x2B00] =	vst v63  }
0x1f: {  	_ = 	snop  }
0x20: {  	[spmem:s3] =	stream.indirect.scatter.add.f32 [tilespmem:s10], [sflag:$0x1], $0x1, s13, s13, $0xb8;
	[tilespmem:$0x2B00] =	vst v63  }
0x21: {  	_ = 	snop  }
0x22: {  	[spmem:s3] =	stream.indirect.scatter.add.f32 [tilespmem:s10], [sflag:$0x1], $0x1, s14, s13, $0xb8;
	[tilespmem:$0x2B00] =	vst v63  }
0x23: {  	_ = 	snop  }
0x24: {  	[spmem:s3] =	stream.indirect.scatter.add.f32 [tilespmem:s10], [sflag:$0x1], $0x1, s15, s13, $0xb8;
	[tilespmem:$0x2B00] =	vst v63  }
0x25: {  	_ = 	snop  }
0x26: {  	[spmem:s3] =	stream.indirect.scatter.add.f32 [tilespmem:s10], [sflag:$0x1], $0x1, s16, s13, $0xb8;
	[tilespmem:$0x2B00] =	vst v63  }
0x27: {  	_ = 	snop  }
0x28: {  	[spmem:s3] =	stream.indirect.scatter.add.f32 [tilespmem:s10], [sflag:$0x1], $0x1, s17, s13, $0xb8;
	[tilespmem:$0x2B00] =	vst v63  }
0x29: {  	_ = 	snop  }
0x2a: {  	[spmem:s3] =	stream.indirect.scatter.add.f32 [tilespmem:s10], [sflag:$0x1], $0x1, s18, s13, $0xb8;
	[tilespmem:$0x2B00] =	vst v63  }
0x2b: {  	s21 =	simm.s32 $0x380  }
0x2c: {  	[spmem:s3] =	stream.indirect.scatter.add.f32 [tilespmem:s10], [sflag:$0x1], $0x1, s21, s13, $0xb8;
	[tilespmem:$0x2B00] =	vst v63  }
0x2d: {  	_ =	swait.ge [sflag:s19], $0x80  }
0x2e: {  	s21 =	simm.s32 $0x1000;
	[sflag:s19] =	ssyncset.done $0x0  }
.LBB2_2:
0x2f: {  	s22 =	sshra.s32 s21, $0x2;
	[sflag:s19] =	ssyncadd.s32 $0xFFFFFF80;
	p0 =	sne.s32 s21, $0x9E00  }
0x30: {  	[spmem:s3] =	stream.indirect.scatter.add.f32 [tilespmem:s10], [sflag:$0x1], $0x1, s22, s13, $0xb8;
	[tilespmem:$0x2B00] =	vst v63  }
.Ltmp0:
0x31: {  	_ = 	snop;
	(pc) =	sbr.rel @p0 .LBB2_2-.Ltmp0, $4  }
0x32: {  	_ = 	snop  }
0x33: {  	s21 =	sadd.s32 $0x200, s21  }
0x34: {  	_ =	swait.ge [sflag:s19], $0x80  }
0x35: {  	[sflag:s19] =	ssyncset.done $0x0  }
0x36: {  	[sflag:s19] =	ssyncadd.s32 $0xFFFFFF80  }
0x37: {  	_ =	swait.ge [sflag:s19], $0x80  }
0x38: {  	[sflag:s19] =	ssyncset.done $0x0  }
0x39: {  	[sflag:s19] =	ssyncadd.s32 $0xFFFFFF80  }
0x3a: {  	_ =	swait.ge [sflag:s19], $0x80  }
0x3b: {  	[sflag:s19] =	ssyncset.done $0x0  }
0x3c: {  	[sflag:s19] =	ssyncadd.s32 $0xFFFFFF80  }
0x3d: {  	_ =	swait.ge [sflag:s19], $0x80  }
0x3e: {  	[sflag:s19] =	ssyncset.done $0x0  }
0x3f: {  	[sflag:s19] =	ssyncadd.s32 $0xFFFFFF80  }
0x40: {  	_ =	swait.ge [sflag:s19], $0x80  }
0x41: {  	[sflag:s19] =	ssyncset.done $0x0  }
0x42: {  	[sflag:s19] =	ssyncadd.s32 $0xFFFFFF80  }
0x43: {  	_ =	swait.ge [sflag:s19], $0x80  }
0x44: {  	[sflag:s19] =	ssyncset.done $0x0  }
0x45: {  	[sflag:s19] =	ssyncadd.s32 $0xFFFFFF80  }
0x46: {  	_ =	swait.ge [sflag:s19], $0x80  }
0x47: {  	[sflag:s19] =	ssyncset.done $0x0  }
0x48: {  	[sflag:s19] =	ssyncadd.s32 $0xFFFFFF80  }
0x49: {  	_ =	swait.ge [sflag:s19], $0x80  }
0x4a: {  	s20 =	sadd.s32 $0x1, s20;
	[sflag:s19] =	ssyncset.done $0x0  }
0x4b: {  	p0 =	sne.s32 s20, s8;
	[sflag:s19] =	ssyncadd.s32 $0xFFFFFF80  }
.Ltmp1:
0x4c: {  	[bflag:$0x0] =	sbarrier.arrive $0xFFFF;
	(pc) =	sbr.rel @p0 .LBB2_1-.Ltmp1, $4  }
0x4d: {  	[hbm:s7], [sflag:s11] =	dma.local [spmem:s12], $0x50  }
0x4e: {  	_ =	swait.ge [sflag:s9], $0x50  }
0x4f: {  	[sflag:s9] =	ssyncset.done $0x0  }
0x50: {  	[sflag:s9] =	ssyncadd.s32 $0xFFFFFFB0  }
0x51: {  	_ =	sfence.sel $0x180000  }
0x52: {  	[bflag:$0x0] =	sbarrier.arrive $0xFFFF  }
0x53: {  	p0 =	sne.s32 s1, $0x0;
	_ =	strace $0x90000047  }
0x54: {  	s0 =	sadd.s32 @!p0 $0x100000, s0;
	[bflag:$0x2] =	sbarrier.arrive $0xFFFF  }
0x55: {  	[sflag:s0] =	ssyncadd.tile.s32 @!p0 $0x1;
	_ =	shalt  }
.Lfunc_end2:
_tile_overlayer_lowered:
.L_overlay_start_2:
0x56: {  	(tag) =	ssettag $0x2  }
0x57: {  	s0 =	rddreg [dreg:$0x0];
	s2 =	stileid.u32  }
0x58: {  	s1 =	rddreg [dreg:$0x1];
	p0 =	sne.s32 s2, $0x0  }
0x59: {  	s3 =	rddreg [dreg:$0x2];
	[bflag:$0x3] =	sbarrier.arrive $0xFFFF;
	s2 =	simm.s32 @!p0 $0x1C02  }
0x5a: {  	[timem:s3], [sflag:s2] =	dma.local @!p0 [hbm:s0], s1  }
0x5b: {  	s0 =	simm.s32 @!p0 $0x2  }
0x5c: {  	_ =	swait.ge @!p0 [sflag:s0], s1  }
0x5d: {  	s1 =	ssub.s32 @!p0 $0x0, s1;
	[sflag:s0] =	ssyncset.done @!p0 $0x0  }
0x5e: {  	[sflag:s0] =	ssyncadd.s32 @!p0 s1  }
0x5f: {  	[bflag:$0x3] =	sbarrier.arrive $0xFFFF  }
0x60: {  	_ =	shalt  }

</sc_bundles>
